<compile_context>
chip_gen: v7x
topology: tpu7x:2x2x1
jax: 0.10.2.dev20260603
libtpu: 0.0.44.dev20260713+nightly
codegen_flags: <defaults>
</compile_context>

<pallas_src>
import functools

import jax
import jax.numpy as jnp
from jax import lax
from jax.experimental import pallas as pl
from jax.experimental.pallas import tpu as pltpu
from jax.experimental.pallas import tpu_sc as plsc

_info = plsc.get_sparse_core_info()
_NC, _NS, _L = _info.num_cores, _info.num_subcores, _info.num_lanes
_NW = _NC * _NS


@functools.lru_cache(maxsize=None)
def _build(batch, seq_len, vocab, dim):
    s_per_w = seq_len // _NW
    assert seq_len % _NW == 0 and s_per_w % 8 == 0 and dim % _L == 0

    def body(idx_hbm, pos_hbm, table_hbm, out_hbm, idx_v, pos_v, acc_v,
             s_i, s_pos, s_p0, *sems):
        s_g, s_o = sems[:batch], sems[batch:]
        wid = lax.axis_index("s") * _NC + lax.axis_index("c")
        s0 = wid * s_per_w
        cp_idx = [
            pltpu.async_copy(idx_hbm.at[b, pl.ds(s0, s_per_w)], idx_v.at[b],
                             s_i)
            for b in range(batch)
        ]
        pos_src = pos_hbm.at[pl.ds(s0, s_per_w), :]
        cp_pos = pltpu.async_copy(pos_src, pos_v, s_pos)
        cp_p0 = pltpu.async_copy(pos_src, acc_v.at[0], s_p0)
        cp_g = [None] * batch
        cp_p0.wait()
        for cp in cp_idx:
            cp.wait()
        cp_g[0] = pltpu.async_copy(table_hbm.at[idx_v.at[0]], acc_v.at[0],
                                   s_g[0], add=True)
        cp_pos.wait()

        def row(i, carry):
            for j in range(dim // _L):
                sl = pl.ds(j * _L, _L)
                v = pos_v[i, sl]
                for b in range(1, batch):
                    acc_v[b, i, sl] = v
            return carry

        lax.fori_loop(0, s_per_w, row, 0)
        for b in range(1, batch):
            cp_g[b] = pltpu.async_copy(table_hbm.at[idx_v.at[b]], acc_v.at[b],
                                       s_g[b], add=True)
        cp_o = []
        for b in range(batch):
            cp_g[b].wait()
            cp_o.append(pltpu.async_copy(
                acc_v.at[b], out_hbm.at[b, pl.ds(s0, s_per_w), :], s_o[b]))
        for cp in cp_o:
            cp.wait()

    mesh = plsc.VectorSubcoreMesh(core_axis_name="c", subcore_axis_name="s")
    kern = pl.kernel(
        body,
        mesh=mesh,
        out_type=jax.ShapeDtypeStruct((batch, seq_len, dim), jnp.float32),
        scratch_types=[
            pltpu.VMEM((batch, s_per_w), jnp.int32),
            pltpu.VMEM((s_per_w, dim), jnp.float32),
            pltpu.VMEM((batch, s_per_w, dim), jnp.float32),
            pltpu.SemaphoreType.DMA,
            pltpu.SemaphoreType.DMA,
            pltpu.SemaphoreType.DMA,
        ] + [pltpu.SemaphoreType.DMA] * (2 * batch),
    )

    @jax.jit
    def run(input_ids, token_table, pos_table):
        return kern(input_ids.astype(jnp.int32), pos_table, token_table)

    return run


def kernel(input_ids, token_table, pos_table):
    batch, seq_len = input_ids.shape
    vocab, dim = token_table.shape
    return _build(batch, seq_len, vocab, dim)(input_ids, token_table, pos_table)

# --- scband reference (transcript-rebuilt; emitter-appended) ---
"""Pipeline reference for scband-simple-gpt2-embedding-91259465105459 (READ-ONLY COPY).

The authoritative reference and input builder live on the scoring server;
editing this copy changes nothing except your own understanding.
"""

import jax, jax.numpy as jnp
import numpy as np

VOCAB_SIZE = 100000
EMBED_DIM = 128
CONTEXT_LENGTH = 2048
BATCH = 4
SEQ_LEN = 2048


def setup_inputs(seed: int = 0) -> dict:
    key = jax.random.key(seed)
    k1, k2, k3 = jax.random.split(key, 3)
    input_ids = jax.random.randint(k1, (BATCH, SEQ_LEN), 0, VOCAB_SIZE, dtype=jnp.int64 if jax.config.jax_enable_x64 else jnp.int32)
    token_table = jax.random.normal(k2, (VOCAB_SIZE, EMBED_DIM), dtype=jnp.float32) * 0.02
    pos_table = jax.random.normal(k3, (CONTEXT_LENGTH, EMBED_DIM), dtype=jnp.float32) * 0.02
    return {"input_ids": input_ids, "token_table": token_table, "pos_table": pos_table}


def reference(input_ids, token_table, pos_table):
    # token embedding lookup (gather)
    token_embeddings = jnp.take(token_table, input_ids, axis=0)  # [B, S, D]
    # sequence position embedding based on token_embeddings' seq length
    seq_len = token_embeddings.shape[1]
    pos_embeddings = pos_table[:seq_len][None, :, :]  # [1, S, D]
    return token_embeddings + pos_embeddings

if __name__ == "__main__":
    import jax
    _d = setup_inputs()
    print(jax.jit(kernel)(*tuple(_d.values())))

</pallas_src>

<mosaic_0001>
#map = affine_map<(d0, d1) -> (0, 0)>
#map1 = affine_map<(d0, d1) -> (0, 0, 0)>
module attributes {stable_mosaic.version = 14 : i64} {
  func.func @body(%arg0: i32, %arg1: i32, %arg2: memref<4x2048xi32, #tpu.memory_space<hbm>>, %arg3: memref<2048x128xf32, #tpu.memory_space<hbm>>, %arg4: memref<100000x128xf32, #tpu.memory_space<hbm>>, %arg5: memref<4x2048x128xf32, #tpu.memory_space<hbm>>, %arg6: memref<4x64xi32, #tpu.memory_space<vmem>>, %arg7: memref<64x128xf32, #tpu.memory_space<vmem>>, %arg8: memref<4x64x128xf32, #tpu.memory_space<vmem>>, %arg9: memref<!tpu.dma_semaphore, #tpu.memory_space<semaphore_mem>>, %arg10: memref<!tpu.dma_semaphore, #tpu.memory_space<semaphore_mem>>, %arg11: memref<!tpu.dma_semaphore, #tpu.memory_space<semaphore_mem>>, %arg12: memref<!tpu.dma_semaphore, #tpu.memory_space<semaphore_mem>>, %arg13: memref<!tpu.dma_semaphore, #tpu.memory_space<semaphore_mem>>, %arg14: memref<!tpu.dma_semaphore, #tpu.memory_space<semaphore_mem>>, %arg15: memref<!tpu.dma_semaphore, #tpu.memory_space<semaphore_mem>>, %arg16: memref<!tpu.dma_semaphore, #tpu.memory_space<semaphore_mem>>, %arg17: memref<!tpu.dma_semaphore, #tpu.memory_space<semaphore_mem>>, %arg18: memref<!tpu.dma_semaphore, #tpu.memory_space<semaphore_mem>>, %arg19: memref<!tpu.dma_semaphore, #tpu.memory_space<semaphore_mem>>) attributes {dimension_semantics = [#tpu.dimension_semantics<core_parallel>, #tpu.dimension_semantics<subcore_parallel>], iteration_bounds = array<i64: 2, 16>, scalar_prefetch = 0 : i64, scratch_operands = 14 : i64, tpu.core_type = #tpu.core_type<sc_vector_subcore>, window_params = [{transform_indices = #map}, {transform_indices = #map}, {transform_indices = #map}, {transform_indices = #map1}]} {
    %mul3A = arith.constant 2 : i32
    %mul3A_0 = arith.muli %arg1, %mul3A : i32
    %add3A = arith.addi %mul3A_0, %arg0 : i32
    %mul3A_1 = arith.constant 64 : i32
    %mul3A_2 = arith.muli %add3A, %mul3A_1 : i32
    %dma_start3A = arith.constant 0 : i32
    %dma_start3A_3 = arith.constant 0 : i32
    %dma_start3A_4 = arith.constant 0 : i32
    %dma_start3A_5 = tpu.memref_slice %arg6[%dma_start3A_3, %dma_start3A_4] : memref<4x64xi32, #tpu.memory_space<vmem>> -> memref<1x64xi32, #tpu.memory_space<vmem>>
    %dma_start3A_6 = tpu.memref_squeeze %dma_start3A_5 : memref<1x64xi32, #tpu.memory_space<vmem>> -> memref<64xi32, #tpu.memory_space<vmem>>
    %dma_start3A_7 = tpu.memref_slice %arg2[%dma_start3A, %mul3A_2] : memref<4x2048xi32, #tpu.memory_space<hbm>> -> memref<1x64xi32, #tpu.memory_space<hbm>>
    %dma_start3A_8 = tpu.memref_squeeze %dma_start3A_7 : memref<1x64xi32, #tpu.memory_space<hbm>> -> memref<64xi32, #tpu.memory_space<hbm>>
    %dma_start3A_9 = arith.constant 0 : i32
    %dma_start3A_10 = tpu.memref_slice %arg6[%dma_start3A_3, %dma_start3A_9] : memref<4x64xi32, #tpu.memory_space<vmem>> -> memref<1x64xi32, #tpu.memory_space<vmem>>
    %dma_start3A_11 = tpu.memref_squeeze %dma_start3A_10 : memref<1x64xi32, #tpu.memory_space<vmem>> -> memref<64xi32, #tpu.memory_space<vmem>>
    %dma_start3A_12 = tpu.memref_slice %arg2[%dma_start3A, %mul3A_2] : memref<4x2048xi32, #tpu.memory_space<hbm>> -> memref<1x64xi32, #tpu.memory_space<hbm>>
    %dma_start3A_13 = tpu.memref_squeeze %dma_start3A_12 : memref<1x64xi32, #tpu.memory_space<hbm>> -> memref<64xi32, #tpu.memory_space<hbm>>
    tpu.enqueue_dma source(%dma_start3A_13 : memref<64xi32, #tpu.memory_space<hbm>>) target(%dma_start3A_11 : memref<64xi32, #tpu.memory_space<vmem>>) target_semaphore(%arg9 : memref<!tpu.dma_semaphore, #tpu.memory_space<semaphore_mem>>)
    %dma_start3A_14 = arith.constant 1 : i32
    %dma_start3A_15 = arith.constant 1 : i32
    %dma_start3A_16 = arith.constant 0 : i32
    %dma_start3A_17 = tpu.memref_slice %arg6[%dma_start3A_15, %dma_start3A_16] : memref<4x64xi32, #tpu.memory_space<vmem>> -> memref<1x64xi32, #tpu.memory_space<vmem>>
    %dma_start3A_18 = tpu.memref_squeeze %dma_start3A_17 : memref<1x64xi32, #tpu.memory_space<vmem>> -> memref<64xi32, #tpu.memory_space<vmem>>
    %dma_start3A_19 = tpu.memref_slice %arg2[%dma_start3A_14, %mul3A_2] : memref<4x2048xi32, #tpu.memory_space<hbm>> -> memref<1x64xi32, #tpu.memory_space<hbm>>
    %dma_start3A_20 = tpu.memref_squeeze %dma_start3A_19 : memref<1x64xi32, #tpu.memory_space<hbm>> -> memref<64xi32, #tpu.memory_space<hbm>>
    %dma_start3A_21 = arith.constant 0 : i32
    %dma_start3A_22 = tpu.memref_slice %arg6[%dma_start3A_15, %dma_start3A_21] : memref<4x64xi32, #tpu.memory_space<vmem>> -> memref<1x64xi32, #tpu.memory_space<vmem>>
    %dma_start3A_23 = tpu.memref_squeeze %dma_start3A_22 : memref<1x64xi32, #tpu.memory_space<vmem>> -> memref<64xi32, #tpu.memory_space<vmem>>
    %dma_start3A_24 = tpu.memref_slice %arg2[%dma_start3A_14, %mul3A_2] : memref<4x2048xi32, #tpu.memory_space<hbm>> -> memref<1x64xi32, #tpu.memory_space<hbm>>
    %dma_start3A_25 = tpu.memref_squeeze %dma_start3A_24 : memref<1x64xi32, #tpu.memory_space<hbm>> -> memref<64xi32, #tpu.memory_space<hbm>>
    tpu.enqueue_dma source(%dma_start3A_25 : memref<64xi32, #tpu.memory_space<hbm>>) target(%dma_start3A_23 : memref<64xi32, #tpu.memory_space<vmem>>) target_semaphore(%arg9 : memref<!tpu.dma_semaphore, #tpu.memory_space<semaphore_mem>>)
    %dma_start3A_26 = arith.constant 2 : i32
    %dma_start3A_27 = arith.constant 2 : i32
    %dma_start3A_28 = arith.constant 0 : i32
    %dma_start3A_29 = tpu.memref_slice %arg6[%dma_start3A_27, %dma_start3A_28] : memref<4x64xi32, #tpu.memory_space<vmem>> -> memref<1x64xi32, #tpu.memory_space<vmem>>
    %dma_start3A_30 = tpu.memref_squeeze %dma_start3A_29 : memref<1x64xi32, #tpu.memory_space<vmem>> -> memref<64xi32, #tpu.memory_space<vmem>>
    %dma_start3A_31 = tpu.memref_slice %arg2[%dma_start3A_26, %mul3A_2] : memref<4x2048xi32, #tpu.memory_space<hbm>> -> memref<1x64xi32, #tpu.memory_space<hbm>>
    %dma_start3A_32 = tpu.memref_squeeze %dma_start3A_31 : memref<1x64xi32, #tpu.memory_space<hbm>> -> memref<64xi32, #tpu.memory_space<hbm>>
    %dma_start3A_33 = arith.constant 0 : i32
    %dma_start3A_34 = tpu.memref_slice %arg6[%dma_start3A_27, %dma_start3A_33] : memref<4x64xi32, #tpu.memory_space<vmem>> -> memref<1x64xi32, #tpu.memory_space<vmem>>
    %dma_start3A_35 = tpu.memref_squeeze %dma_start3A_34 : memref<1x64xi32, #tpu.memory_space<vmem>> -> memref<64xi32, #tpu.memory_space<vmem>>
    %dma_start3A_36 = tpu.memref_slice %arg2[%dma_start3A_26, %mul3A_2] : memref<4x2048xi32, #tpu.memory_space<hbm>> -> memref<1x64xi32, #tpu.memory_space<hbm>>
    %dma_start3A_37 = tpu.memref_squeeze %dma_start3A_36 : memref<1x64xi32, #tpu.memory_space<hbm>> -> memref<64xi32, #tpu.memory_space<hbm>>
    tpu.enqueue_dma source(%dma_start3A_37 : memref<64xi32, #tpu.memory_space<hbm>>) target(%dma_start3A_35 : memref<64xi32, #tpu.memory_space<vmem>>) target_semaphore(%arg9 : memref<!tpu.dma_semaphore, #tpu.memory_space<semaphore_mem>>)
    %dma_start3A_38 = arith.constant 3 : i32
    %dma_start3A_39 = arith.constant 3 : i32
    %dma_start3A_40 = arith.constant 0 : i32
    %dma_start3A_41 = tpu.memref_slice %arg6[%dma_start3A_39, %dma_start3A_40] : memref<4x64xi32, #tpu.memory_space<vmem>> -> memref<1x64xi32, #tpu.memory_space<vmem>>
    %dma_start3A_42 = tpu.memref_squeeze %dma_start3A_41 : memref<1x64xi32, #tpu.memory_space<vmem>> -> memref<64xi32, #tpu.memory_space<vmem>>
    %dma_start3A_43 = tpu.memref_slice %arg2[%dma_start3A_38, %mul3A_2] : memref<4x2048xi32, #tpu.memory_space<hbm>> -> memref<1x64xi32, #tpu.memory_space<hbm>>
    %dma_start3A_44 = tpu.memref_squeeze %dma_start3A_43 : memref<1x64xi32, #tpu.memory_space<hbm>> -> memref<64xi32, #tpu.memory_space<hbm>>
    %dma_start3A_45 = arith.constant 0 : i32
    %dma_start3A_46 = tpu.memref_slice %arg6[%dma_start3A_39, %dma_start3A_45] : memref<4x64xi32, #tpu.memory_space<vmem>> -> memref<1x64xi32, #tpu.memory_space<vmem>>
    %dma_start3A_47 = tpu.memref_squeeze %dma_start3A_46 : memref<1x64xi32, #tpu.memory_space<vmem>> -> memref<64xi32, #tpu.memory_space<vmem>>
    %dma_start3A_48 = tpu.memref_slice %arg2[%dma_start3A_38, %mul3A_2] : memref<4x2048xi32, #tpu.memory_space<hbm>> -> memref<1x64xi32, #tpu.memory_space<hbm>>
    %dma_start3A_49 = tpu.memref_squeeze %dma_start3A_48 : memref<1x64xi32, #tpu.memory_space<hbm>> -> memref<64xi32, #tpu.memory_space<hbm>>
    tpu.enqueue_dma source(%dma_start3A_49 : memref<64xi32, #tpu.memory_space<hbm>>) target(%dma_start3A_47 : memref<64xi32, #tpu.memory_space<vmem>>) target_semaphore(%arg9 : memref<!tpu.dma_semaphore, #tpu.memory_space<semaphore_mem>>)
    %dma_start3A_50 = arith.constant 0 : i32
    %dma_start3A_51 = tpu.memref_slice %arg3[%mul3A_2, %dma_start3A_50] : memref<2048x128xf32, #tpu.memory_space<hbm>> -> memref<64x128xf32, #tpu.memory_space<hbm>>
    %dma_start3A_52 = arith.constant 0 : i32
    %dma_start3A_53 = tpu.memref_slice %arg3[%mul3A_2, %dma_start3A_52] : memref<2048x128xf32, #tpu.memory_space<hbm>> -> memref<64x128xf32, #tpu.memory_space<hbm>>
    tpu.enqueue_dma source(%dma_start3A_53 : memref<64x128xf32, #tpu.memory_space<hbm>>) target(%arg7 : memref<64x128xf32, #tpu.memory_space<vmem>>) target_semaphore(%arg10 : memref<!tpu.dma_semaphore, #tpu.memory_space<semaphore_mem>>)
    %dma_start3A_54 = arith.constant 0 : i32
    %dma_start3A_55 = arith.constant 0 : i32
    %dma_start3A_56 = arith.constant 0 : i32
    %dma_start3A_57 = tpu.memref_slice %arg8[%dma_start3A_54, %dma_start3A_55, %dma_start3A_56] : memref<4x64x128xf32, #tpu.memory_space<vmem>> -> memref<1x64x128xf32, #tpu.memory_space<vmem>>
    %dma_start3A_58 = tpu.memref_squeeze %dma_start3A_57 : memref<1x64x128xf32, #tpu.memory_space<vmem>> -> memref<64x128xf32, #tpu.memory_space<vmem>>
    %dma_start3A_59 = arith.constant 0 : i32
    %dma_start3A_60 = tpu.memref_slice %arg3[%mul3A_2, %dma_start3A_59] : memref<2048x128xf32, #tpu.memory_space<hbm>> -> memref<64x128xf32, #tpu.memory_space<hbm>>
    %dma_start3A_61 = arith.constant 0 : i32
    %dma_start3A_62 = arith.constant 0 : i32
    %dma_start3A_63 = tpu.memref_slice %arg8[%dma_start3A_54, %dma_start3A_61, %dma_start3A_62] : memref<4x64x128xf32, #tpu.memory_space<vmem>> -> memref<1x64x128xf32, #tpu.memory_space<vmem>>
    %dma_start3A_64 = tpu.memref_squeeze %dma_start3A_63 : memref<1x64x128xf32, #tpu.memory_space<vmem>> -> memref<64x128xf32, #tpu.memory_space<vmem>>
    %dma_start3A_65 = arith.constant 0 : i32
    %dma_start3A_66 = tpu.memref_slice %arg3[%mul3A_2, %dma_start3A_65] : memref<2048x128xf32, #tpu.memory_space<hbm>> -> memref<64x128xf32, #tpu.memory_space<hbm>>
    tpu.enqueue_dma source(%dma_start3A_66 : memref<64x128xf32, #tpu.memory_space<hbm>>) target(%dma_start3A_64 : memref<64x128xf32, #tpu.memory_space<vmem>>) target_semaphore(%arg11 : memref<!tpu.dma_semaphore, #tpu.memory_space<semaphore_mem>>)
    %dma_wait3A = arith.constant 0 : i32
    %dma_wait3A_67 = arith.constant 0 : i32
    %dma_wait3A_68 = arith.constant 0 : i32
    %dma_wait3A_69 = tpu.memref_slice %arg8[%dma_wait3A, %dma_wait3A_67, %dma_wait3A_68] : memref<4x64x128xf32, #tpu.memory_space<vmem>> -> memref<1x64x128xf32, #tpu.memory_space<vmem>>
    %dma_wait3A_70 = tpu.memref_squeeze %dma_wait3A_69 : memref<1x64x128xf32, #tpu.memory_space<vmem>> -> memref<64x128xf32, #tpu.memory_space<vmem>>
    %dma_wait3A_71 = arith.constant 0 : i32
    %dma_wait3A_72 = tpu.memref_slice %arg3[%mul3A_2, %dma_wait3A_71] : memref<2048x128xf32, #tpu.memory_space<hbm>> -> memref<64x128xf32, #tpu.memory_space<hbm>>
    %dma_wait3A_73 = arith.constant 0 : i32
    %dma_wait3A_74 = arith.constant 0 : i32
    %dma_wait3A_75 = tpu.memref_slice %arg8[%dma_wait3A, %dma_wait3A_73, %dma_wait3A_74] : memref<4x64x128xf32, #tpu.memory_space<vmem>> -> memref<1x64x128xf32, #tpu.memory_space<vmem>>
    %dma_wait3A_76 = tpu.memref_squeeze %dma_wait3A_75 : memref<1x64x128xf32, #tpu.memory_space<vmem>> -> memref<64x128xf32, #tpu.memory_space<vmem>>
    %dma_wait3A_77 = arith.constant 0 : i32
    %dma_wait3A_78 = tpu.memref_slice %arg3[%mul3A_2, %dma_wait3A_77] : memref<2048x128xf32, #tpu.memory_space<hbm>> -> memref<64x128xf32, #tpu.memory_space<hbm>>
    tpu.wait_dma2 semaphore(%arg11 : memref<!tpu.dma_semaphore, #tpu.memory_space<semaphore_mem>>) src(%dma_wait3A_78 : memref<64x128xf32, #tpu.memory_space<hbm>>) dst(%dma_wait3A_76 : memref<64x128xf32, #tpu.memory_space<vmem>>)
    %dma_wait3A_79 = arith.constant 0 : i32
    %dma_wait3A_80 = arith.constant 0 : i32
    %dma_wait3A_81 = arith.constant 0 : i32
    %dma_wait3A_82 = tpu.memref_slice %arg6[%dma_wait3A_80, %dma_wait3A_81] : memref<4x64xi32, #tpu.memory_space<vmem>> -> memref<1x64xi32, #tpu.memory_space<vmem>>
    %dma_wait3A_83 = tpu.memref_squeeze %dma_wait3A_82 : memref<1x64xi32, #tpu.memory_space<vmem>> -> memref<64xi32, #tpu.memory_space<vmem>>
    %dma_wait3A_84 = tpu.memref_slice %arg2[%dma_wait3A_79, %mul3A_2] : memref<4x2048xi32, #tpu.memory_space<hbm>> -> memref<1x64xi32, #tpu.memory_space<hbm>>
    %dma_wait3A_85 = tpu.memref_squeeze %dma_wait3A_84 : memref<1x64xi32, #tpu.memory_space<hbm>> -> memref<64xi32, #tpu.memory_space<hbm>>
    %dma_wait3A_86 = arith.constant 0 : i32
    %dma_wait3A_87 = tpu.memref_slice %arg6[%dma_wait3A_80, %dma_wait3A_86] : memref<4x64xi32, #tpu.memory_space<vmem>> -> memref<1x64xi32, #tpu.memory_space<vmem>>
    %dma_wait3A_88 = tpu.memref_squeeze %dma_wait3A_87 : memref<1x64xi32, #tpu.memory_space<vmem>> -> memref<64xi32, #tpu.memory_space<vmem>>
    %dma_wait3A_89 = tpu.memref_slice %arg2[%dma_wait3A_79, %mul3A_2] : memref<4x2048xi32, #tpu.memory_space<hbm>> -> memref<1x64xi32, #tpu.memory_space<hbm>>
    %dma_wait3A_90 = tpu.memref_squeeze %dma_wait3A_89 : memref<1x64xi32, #tpu.memory_space<hbm>> -> memref<64xi32, #tpu.memory_space<hbm>>
    tpu.wait_dma2 semaphore(%arg9 : memref<!tpu.dma_semaphore, #tpu.memory_space<semaphore_mem>>) src(%dma_wait3A_90 : memref<64xi32, #tpu.memory_space<hbm>>) dst(%dma_wait3A_88 : memref<64xi32, #tpu.memory_space<vmem>>)
    %dma_wait3A_91 = arith.constant 1 : i32
    %dma_wait3A_92 = arith.constant 1 : i32
    %dma_wait3A_93 = arith.constant 0 : i32
    %dma_wait3A_94 = tpu.memref_slice %arg6[%dma_wait3A_92, %dma_wait3A_93] : memref<4x64xi32, #tpu.memory_space<vmem>> -> memref<1x64xi32, #tpu.memory_space<vmem>>
    %dma_wait3A_95 = tpu.memref_squeeze %dma_wait3A_94 : memref<1x64xi32, #tpu.memory_space<vmem>> -> memref<64xi32, #tpu.memory_space<vmem>>
    %dma_wait3A_96 = tpu.memref_slice %arg2[%dma_wait3A_91, %mul3A_2] : memref<4x2048xi32, #tpu.memory_space<hbm>> -> memref<1x64xi32, #tpu.memory_space<hbm>>
    %dma_wait3A_97 = tpu.memref_squeeze %dma_wait3A_96 : memref<1x64xi32, #tpu.memory_space<hbm>> -> memref<64xi32, #tpu.memory_space<hbm>>
    %dma_wait3A_98 = arith.constant 0 : i32
    %dma_wait3A_99 = tpu.memref_slice %arg6[%dma_wait3A_92, %dma_wait3A_98] : memref<4x64xi32, #tpu.memory_space<vmem>> -> memref<1x64xi32, #tpu.memory_space<vmem>>
    %dma_wait3A_100 = tpu.memref_squeeze %dma_wait3A_99 : memref<1x64xi32, #tpu.memory_space<vmem>> -> memref<64xi32, #tpu.memory_space<vmem>>
    %dma_wait3A_101 = tpu.memref_slice %arg2[%dma_wait3A_91, %mul3A_2] : memref<4x2048xi32, #tpu.memory_space<hbm>> -> memref<1x64xi32, #tpu.memory_space<hbm>>
    %dma_wait3A_102 = tpu.memref_squeeze %dma_wait3A_101 : memref<1x64xi32, #tpu.memory_space<hbm>> -> memref<64xi32, #tpu.memory_space<hbm>>
    tpu.wait_dma2 semaphore(%arg9 : memref<!tpu.dma_semaphore, #tpu.memory_space<semaphore_mem>>) src(%dma_wait3A_102 : memref<64xi32, #tpu.memory_space<hbm>>) dst(%dma_wait3A_100 : memref<64xi32, #tpu.memory_space<vmem>>)
    %dma_wait3A_103 = arith.constant 2 : i32
    %dma_wait3A_104 = arith.constant 2 : i32
    %dma_wait3A_105 = arith.constant 0 : i32
    %dma_wait3A_106 = tpu.memref_slice %arg6[%dma_wait3A_104, %dma_wait3A_105] : memref<4x64xi32, #tpu.memory_space<vmem>> -> memref<1x64xi32, #tpu.memory_space<vmem>>
    %dma_wait3A_107 = tpu.memref_squeeze %dma_wait3A_106 : memref<1x64xi32, #tpu.memory_space<vmem>> -> memref<64xi32, #tpu.memory_space<vmem>>
    %dma_wait3A_108 = tpu.memref_slice %arg2[%dma_wait3A_103, %mul3A_2] : memref<4x2048xi32, #tpu.memory_space<hbm>> -> memref<1x64xi32, #tpu.memory_space<hbm>>
    %dma_wait3A_109 = tpu.memref_squeeze %dma_wait3A_108 : memref<1x64xi32, #tpu.memory_space<hbm>> -> memref<64xi32, #tpu.memory_space<hbm>>
    %dma_wait3A_110 = arith.constant 0 : i32
    %dma_wait3A_111 = tpu.memref_slice %arg6[%dma_wait3A_104, %dma_wait3A_110] : memref<4x64xi32, #tpu.memory_space<vmem>> -> memref<1x64xi32, #tpu.memory_space<vmem>>
    %dma_wait3A_112 = tpu.memref_squeeze %dma_wait3A_111 : memref<1x64xi32, #tpu.memory_space<vmem>> -> memref<64xi32, #tpu.memory_space<vmem>>
    %dma_wait3A_113 = tpu.memref_slice %arg2[%dma_wait3A_103, %mul3A_2] : memref<4x2048xi32, #tpu.memory_space<hbm>> -> memref<1x64xi32, #tpu.memory_space<hbm>>
    %dma_wait3A_114 = tpu.memref_squeeze %dma_wait3A_113 : memref<1x64xi32, #tpu.memory_space<hbm>> -> memref<64xi32, #tpu.memory_space<hbm>>
    tpu.wait_dma2 semaphore(%arg9 : memref<!tpu.dma_semaphore, #tpu.memory_space<semaphore_mem>>) src(%dma_wait3A_114 : memref<64xi32, #tpu.memory_space<hbm>>) dst(%dma_wait3A_112 : memref<64xi32, #tpu.memory_space<vmem>>)
    %dma_wait3A_115 = arith.constant 3 : i32
    %dma_wait3A_116 = arith.constant 3 : i32
    %dma_wait3A_117 = arith.constant 0 : i32
    %dma_wait3A_118 = tpu.memref_slice %arg6[%dma_wait3A_116, %dma_wait3A_117] : memref<4x64xi32, #tpu.memory_space<vmem>> -> memref<1x64xi32, #tpu.memory_space<vmem>>
    %dma_wait3A_119 = tpu.memref_squeeze %dma_wait3A_118 : memref<1x64xi32, #tpu.memory_space<vmem>> -> memref<64xi32, #tpu.memory_space<vmem>>
    %dma_wait3A_120 = tpu.memref_slice %arg2[%dma_wait3A_115, %mul3A_2] : memref<4x2048xi32, #tpu.memory_space<hbm>> -> memref<1x64xi32, #tpu.memory_space<hbm>>
    %dma_wait3A_121 = tpu.memref_squeeze %dma_wait3A_120 : memref<1x64xi32, #tpu.memory_space<hbm>> -> memref<64xi32, #tpu.memory_space<hbm>>
    %dma_wait3A_122 = arith.constant 0 : i32
    %dma_wait3A_123 = tpu.memref_slice %arg6[%dma_wait3A_116, %dma_wait3A_122] : memref<4x64xi32, #tpu.memory_space<vmem>> -> memref<1x64xi32, #tpu.memory_space<vmem>>
    %dma_wait3A_124 = tpu.memref_squeeze %dma_wait3A_123 : memref<1x64xi32, #tpu.memory_space<vmem>> -> memref<64xi32, #tpu.memory_space<vmem>>
    %dma_wait3A_125 = tpu.memref_slice %arg2[%dma_wait3A_115, %mul3A_2] : memref<4x2048xi32, #tpu.memory_space<hbm>> -> memref<1x64xi32, #tpu.memory_space<hbm>>
    %dma_wait3A_126 = tpu.memref_squeeze %dma_wait3A_125 : memref<1x64xi32, #tpu.memory_space<hbm>> -> memref<64xi32, #tpu.memory_space<hbm>>
    tpu.wait_dma2 semaphore(%arg9 : memref<!tpu.dma_semaphore, #tpu.memory_space<semaphore_mem>>) src(%dma_wait3A_126 : memref<64xi32, #tpu.memory_space<hbm>>) dst(%dma_wait3A_124 : memref<64xi32, #tpu.memory_space<vmem>>)
    %dma_start3A_127 = arith.constant 0 : i32
    %dma_start3A_128 = arith.constant 0 : i32
    %dma_start3A_129 = arith.constant 0 : i32
    %dma_start3A_130 = arith.constant 0 : i32
    %dma_start3A_131 = tpu.memref_slice %arg8[%dma_start3A_128, %dma_start3A_129, %dma_start3A_130] : memref<4x64x128xf32, #tpu.memory_space<vmem>> -> memref<1x64x128xf32, #tpu.memory_space<vmem>>
    %dma_start3A_132 = tpu.memref_squeeze %dma_start3A_131 : memref<1x64x128xf32, #tpu.memory_space<vmem>> -> memref<64x128xf32, #tpu.memory_space<vmem>>
    %dma_start3A_133 = arith.constant 0 : i32
    %dma_start3A_134 = tpu.memref_slice %arg6[%dma_start3A_127, %dma_start3A_133] : memref<4x64xi32, #tpu.memory_space<vmem>> -> memref<1x64xi32, #tpu.memory_space<vmem>>
    %dma_start3A_135 = tpu.memref_squeeze %dma_start3A_134 : memref<1x64xi32, #tpu.memory_space<vmem>> -> memref<64xi32, #tpu.memory_space<vmem>>
    %dma_start3A_136 = arith.constant 0 : i32
    %dma_start3A_137 = arith.constant 0 : i32
    %dma_start3A_138 = tpu.memref_slice %arg4[%dma_start3A_136, %dma_start3A_137] : memref<100000x128xf32, #tpu.memory_space<hbm>> -> memref<100000x128xf32, #tpu.memory_space<hbm>>
    tpu.enqueue_indirect_dma source(%dma_start3A_138 : memref<100000x128xf32, #tpu.memory_space<hbm>>) target(%dma_start3A_132 : memref<64x128xf32, #tpu.memory_space<vmem>>) offsets(%dma_start3A_135 : memref<64xi32, #tpu.memory_space<vmem>>) semaphore(%arg12 : memref<!tpu.dma_semaphore, #tpu.memory_space<semaphore_mem>>) {add = true}
    %dma_wait3A_139 = arith.constant 0 : i32
    %dma_wait3A_140 = tpu.memref_slice %arg3[%mul3A_2, %dma_wait3A_139] : memref<2048x128xf32, #tpu.memory_space<hbm>> -> memref<64x128xf32, #tpu.memory_space<hbm>>
    %dma_wait3A_141 = arith.constant 0 : i32
    %dma_wait3A_142 = tpu.memref_slice %arg3[%mul3A_2, %dma_wait3A_141] : memref<2048x128xf32, #tpu.memory_space<hbm>> -> memref<64x128xf32, #tpu.memory_space<hbm>>
    tpu.wait_dma2 semaphore(%arg10 : memref<!tpu.dma_semaphore, #tpu.memory_space<semaphore_mem>>) src(%dma_wait3A_142 : memref<64x128xf32, #tpu.memory_space<hbm>>) dst(%arg7 : memref<64x128xf32, #tpu.memory_space<vmem>>)
    %scan3A = arith.constant 0 : i32
    %scan3A_143 = arith.constant 0 : i32
    %scan3A_144 = arith.constant 64 : i32
    %scan3A_145 = arith.addi %scan3A_143, %scan3A_144 : i32
    %scan3A_146 = arith.constant 1 : i32
    scf.for %scan3A_360 = %scan3A_143 to %scan3A_145 step %scan3A_146  : i32 {
      %get3A = arith.index_cast %scan3A_360 : i32 to index
      %get3A_361 = arith.constant 0 : index
      %get3A_362 = tpu.vector_load %arg7[%get3A, %get3A_361] {strides = array<i32>} : memref<64x128xf32, #tpu.memory_space<vmem>>, vector<1x16xf32>,
      %get3A_363 = vector.shape_cast %get3A_362 : vector<1x16xf32> to vector<16xf32>
      %swap3A = arith.constant 1 : i32
      %swap3A_364 = arith.index_cast %swap3A : i32 to index
      %swap3A_365 = arith.index_cast %scan3A_360 : i32 to index
      %swap3A_366 = arith.constant 0 : index
      %swap3A_367 = tpu.vector_load %arg8[%swap3A_364, %swap3A_365, %swap3A_366] {strides = array<i32>} : memref<4x64x128xf32, #tpu.memory_space<vmem>>, vector<1x1x16xf32>,
      %swap3A_368 = vector.shape_cast %swap3A_367 : vector<1x1x16xf32> to vector<16xf32>
      %swap3A_369 = vector.shape_cast %get3A_363 : vector<16xf32> to vector<1x1x16xf32>
      tpu.vector_store %arg8[%swap3A_364, %swap3A_365, %swap3A_366], %swap3A_369 {strides = array<i32>} : memref<4x64x128xf32, #tpu.memory_space<vmem>>, vector<1x1x16xf32>,
      %swap3A_370 = arith.constant 2 : i32
      %swap3A_371 = arith.index_cast %swap3A_370 : i32 to index
      %swap3A_372 = arith.index_cast %scan3A_360 : i32 to index
      %swap3A_373 = arith.constant 0 : index
      %swap3A_374 = tpu.vector_load %arg8[%swap3A_371, %swap3A_372, %swap3A_373] {strides = array<i32>} : memref<4x64x128xf32, #tpu.memory_space<vmem>>, vector<1x1x16xf32>,
      %swap3A_375 = vector.shape_cast %swap3A_374 : vector<1x1x16xf32> to vector<16xf32>
      %swap3A_376 = vector.shape_cast %get3A_363 : vector<16xf32> to vector<1x1x16xf32>
      tpu.vector_store %arg8[%swap3A_371, %swap3A_372, %swap3A_373], %swap3A_376 {strides = array<i32>} : memref<4x64x128xf32, #tpu.memory_space<vmem>>, vector<1x1x16xf32>,
      %swap3A_377 = arith.constant 3 : i32
      %swap3A_378 = arith.index_cast %swap3A_377 : i32 to index
      %swap3A_379 = arith.index_cast %scan3A_360 : i32 to index
      %swap3A_380 = arith.constant 0 : index
      %swap3A_381 = tpu.vector_load %arg8[%swap3A_378, %swap3A_379, %swap3A_380] {strides = array<i32>} : memref<4x64x128xf32, #tpu.memory_space<vmem>>, vector<1x1x16xf32>,
      %swap3A_382 = vector.shape_cast %swap3A_381 : vector<1x1x16xf32> to vector<16xf32>
      %swap3A_383 = vector.shape_cast %get3A_363 : vector<16xf32> to vector<1x1x16xf32>
      tpu.vector_store %arg8[%swap3A_378, %swap3A_379, %swap3A_380], %swap3A_383 {strides = array<i32>} : memref<4x64x128xf32, #tpu.memory_space<vmem>>, vector<1x1x16xf32>,
      %get3A_384 = arith.index_cast %scan3A_360 : i32 to index
      %get3A_385 = arith.constant 16 : index
      %get3A_386 = tpu.vector_load %arg7[%get3A_384, %get3A_385] {strides = array<i32>} : memref<64x128xf32, #tpu.memory_space<vmem>>, vector<1x16xf32>,
      %get3A_387 = vector.shape_cast %get3A_386 : vector<1x16xf32> to vector<16xf32>
      %swap3A_388 = arith.constant 1 : i32
      %swap3A_389 = arith.index_cast %swap3A_388 : i32 to index
      %swap3A_390 = arith.index_cast %scan3A_360 : i32 to index
      %swap3A_391 = arith.constant 16 : index
      %swap3A_392 = tpu.vector_load %arg8[%swap3A_389, %swap3A_390, %swap3A_391] {strides = array<i32>} : memref<4x64x128xf32, #tpu.memory_space<vmem>>, vector<1x1x16xf32>,
      %swap3A_393 = vector.shape_cast %swap3A_392 : vector<1x1x16xf32> to vector<16xf32>
      %swap3A_394 = vector.shape_cast %get3A_387 : vector<16xf32> to vector<1x1x16xf32>
      tpu.vector_store %arg8[%swap3A_389, %swap3A_390, %swap3A_391], %swap3A_394 {strides = array<i32>} : memref<4x64x128xf32, #tpu.memory_space<vmem>>, vector<1x1x16xf32>,
      %swap3A_395 = arith.constant 2 : i32
      %swap3A_396 = arith.index_cast %swap3A_395 : i32 to index
      %swap3A_397 = arith.index_cast %scan3A_360 : i32 to index
      %swap3A_398 = arith.constant 16 : index
      %swap3A_399 = tpu.vector_load %arg8[%swap3A_396, %swap3A_397, %swap3A_398] {strides = array<i32>} : memref<4x64x128xf32, #tpu.memory_space<vmem>>, vector<1x1x16xf32>,
      %swap3A_400 = vector.shape_cast %swap3A_399 : vector<1x1x16xf32> to vector<16xf32>
      %swap3A_401 = vector.shape_cast %get3A_387 : vector<16xf32> to vector<1x1x16xf32>
      tpu.vector_store %arg8[%swap3A_396, %swap3A_397, %swap3A_398], %swap3A_401 {strides = array<i32>} : memref<4x64x128xf32, #tpu.memory_space<vmem>>, vector<1x1x16xf32>,
      %swap3A_402 = arith.constant 3 : i32
      %swap3A_403 = arith.index_cast %swap3A_402 : i32 to index
      %swap3A_404 = arith.index_cast %scan3A_360 : i32 to index
      %swap3A_405 = arith.constant 16 : index
      %swap3A_406 = tpu.vector_load %arg8[%swap3A_403, %swap3A_404, %swap3A_405] {strides = array<i32>} : memref<4x64x128xf32, #tpu.memory_space<vmem>>, vector<1x1x16xf32>,
      %swap3A_407 = vector.shape_cast %swap3A_406 : vector<1x1x16xf32> to vector<16xf32>
      %swap3A_408 = vector.shape_cast %get3A_387 : vector<16xf32> to vector<1x1x16xf32>
      tpu.vector_store %arg8[%swap3A_403, %swap3A_404, %swap3A_405], %swap3A_408 {strides = array<i32>} : memref<4x64x128xf32, #tpu.memory_space<vmem>>, vector<1x1x16xf32>,
      %get3A_409 = arith.index_cast %scan3A_360 : i32 to index
      %get3A_410 = arith.constant 32 : index
      %get3A_411 = tpu.vector_load %arg7[%get3A_409, %get3A_410] {strides = array<i32>} : memref<64x128xf32, #tpu.memory_space<vmem>>, vector<1x16xf32>,
      %get3A_412 = vector.shape_cast %get3A_411 : vector<1x16xf32> to vector<16xf32>
      %swap3A_413 = arith.constant 1 : i32
      %swap3A_414 = arith.index_cast %swap3A_413 : i32 to index
      %swap3A_415 = arith.index_cast %scan3A_360 : i32 to index
      %swap3A_416 = arith.constant 32 : index
      %swap3A_417 = tpu.vector_load %arg8[%swap3A_414, %swap3A_415, %swap3A_416] {strides = array<i32>} : memref<4x64x128xf32, #tpu.memory_space<vmem>>, vector<1x1x16xf32>,
      %swap3A_418 = vector.shape_cast %swap3A_417 : vector<1x1x16xf32> to vector<16xf32>
      %swap3A_419 = vector.shape_cast %get3A_412 : vector<16xf32> to vector<1x1x16xf32>
      tpu.vector_store %arg8[%swap3A_414, %swap3A_415, %swap3A_416], %swap3A_419 {strides = array<i32>} : memref<4x64x128xf32, #tpu.memory_space<vmem>>, vector<1x1x16xf32>,
      %swap3A_420 = arith.constant 2 : i32
      %swap3A_421 = arith.index_cast %swap3A_420 : i32 to index
      %swap3A_422 = arith.index_cast %scan3A_360 : i32 to index
      %swap3A_423 = arith.constant 32 : index
      %swap3A_424 = tpu.vector_load %arg8[%swap3A_421, %swap3A_422, %swap3A_423] {strides = array<i32>} : memref<4x64x128xf32, #tpu.memory_space<vmem>>, vector<1x1x16xf32>,
      %swap3A_425 = vector.shape_cast %swap3A_424 : vector<1x1x16xf32> to vector<16xf32>
      %swap3A_426 = vector.shape_cast %get3A_412 : vector<16xf32> to vector<1x1x16xf32>
      tpu.vector_store %arg8[%swap3A_421, %swap3A_422, %swap3A_423], %swap3A_426 {strides = array<i32>} : memref<4x64x128xf32, #tpu.memory_space<vmem>>, vector<1x1x16xf32>,
      %swap3A_427 = arith.constant 3 : i32
      %swap3A_428 = arith.index_cast %swap3A_427 : i32 to index
      %swap3A_429 = arith.index_cast %scan3A_360 : i32 to index
      %swap3A_430 = arith.constant 32 : index
      %swap3A_431 = tpu.vector_load %arg8[%swap3A_428, %swap3A_429, %swap3A_430] {strides = array<i32>} : memref<4x64x128xf32, #tpu.memory_space<vmem>>, vector<1x1x16xf32>,
      %swap3A_432 = vector.shape_cast %swap3A_431 : vector<1x1x16xf32> to vector<16xf32>
      %swap3A_433 = vector.shape_cast %get3A_412 : vector<16xf32> to vector<1x1x16xf32>
      tpu.vector_store %arg8[%swap3A_428, %swap3A_429, %swap3A_430], %swap3A_433 {strides = array<i32>} : memref<4x64x128xf32, #tpu.memory_space<vmem>>, vector<1x1x16xf32>,
      %get3A_434 = arith.index_cast %scan3A_360 : i32 to index
      %get3A_435 = arith.constant 48 : index
      %get3A_436 = tpu.vector_load %arg7[%get3A_434, %get3A_435] {strides = array<i32>} : memref<64x128xf32, #tpu.memory_space<vmem>>, vector<1x16xf32>,
      %get3A_437 = vector.shape_cast %get3A_436 : vector<1x16xf32> to vector<16xf32>
      %swap3A_438 = arith.constant 1 : i32
      %swap3A_439 = arith.index_cast %swap3A_438 : i32 to index
      %swap3A_440 = arith.index_cast %scan3A_360 : i32 to index
      %swap3A_441 = arith.constant 48 : index
      %swap3A_442 = tpu.vector_load %arg8[%swap3A_439, %swap3A_440, %swap3A_441] {strides = array<i32>} : memref<4x64x128xf32, #tpu.memory_space<vmem>>, vector<1x1x16xf32>,
      %swap3A_443 = vector.shape_cast %swap3A_442 : vector<1x1x16xf32> to vector<16xf32>
      %swap3A_444 = vector.shape_cast %get3A_437 : vector<16xf32> to vector<1x1x16xf32>
      tpu.vector_store %arg8[%swap3A_439, %swap3A_440, %swap3A_441], %swap3A_444 {strides = array<i32>} : memref<4x64x128xf32, #tpu.memory_space<vmem>>, vector<1x1x16xf32>,
      %swap3A_445 = arith.constant 2 : i32
      %swap3A_446 = arith.index_cast %swap3A_445 : i32 to index
      %swap3A_447 = arith.index_cast %scan3A_360 : i32 to index
      %swap3A_448 = arith.constant 48 : index
      %swap3A_449 = tpu.vector_load %arg8[%swap3A_446, %swap3A_447, %swap3A_448] {strides = array<i32>} : memref<4x64x128xf32, #tpu.memory_space<vmem>>, vector<1x1x16xf32>,
      %swap3A_450 = vector.shape_cast %swap3A_449 : vector<1x1x16xf32> to vector<16xf32>
      %swap3A_451 = vector.shape_cast %get3A_437 : vector<16xf32> to vector<1x1x16xf32>
      tpu.vector_store %arg8[%swap3A_446, %swap3A_447, %swap3A_448], %swap3A_451 {strides = array<i32>} : memref<4x64x128xf32, #tpu.memory_space<vmem>>, vector<1x1x16xf32>,
      %swap3A_452 = arith.constant 3 : i32
      %swap3A_453 = arith.index_cast %swap3A_452 : i32 to index
      %swap3A_454 = arith.index_cast %scan3A_360 : i32 to index
      %swap3A_455 = arith.constant 48 : index
      %swap3A_456 = tpu.vector_load %arg8[%swap3A_453, %swap3A_454, %swap3A_455] {strides = array<i32>} : memref<4x64x128xf32, #tpu.memory_space<vmem>>, vector<1x1x16xf32>,
      %swap3A_457 = vector.shape_cast %swap3A_456 : vector<1x1x16xf32> to vector<16xf32>
      %swap3A_458 = vector.shape_cast %get3A_437 : vector<16xf32> to vector<1x1x16xf32>
      tpu.vector_store %arg8[%swap3A_453, %swap3A_454, %swap3A_455], %swap3A_458 {strides = array<i32>} : memref<4x64x128xf32, #tpu.memory_space<vmem>>, vector<1x1x16xf32>,
      %get3A_459 = arith.index_cast %scan3A_360 : i32 to index
      %get3A_460 = arith.constant 64 : index
      %get3A_461 = tpu.vector_load %arg7[%get3A_459, %get3A_460] {strides = array<i32>} : memref<64x128xf32, #tpu.memory_space<vmem>>, vector<1x16xf32>,
      %get3A_462 = vector.shape_cast %get3A_461 : vector<1x16xf32> to vector<16xf32>
      %swap3A_463 = arith.constant 1 : i32
      %swap3A_464 = arith.index_cast %swap3A_463 : i32 to index
      %swap3A_465 = arith.index_cast %scan3A_360 : i32 to index
      %swap3A_466 = arith.constant 64 : index
      %swap3A_467 = tpu.vector_load %arg8[%swap3A_464, %swap3A_465, %swap3A_466] {strides = array<i32>} : memref<4x64x128xf32, #tpu.memory_space<vmem>>, vector<1x1x16xf32>,
      %swap3A_468 = vector.shape_cast %swap3A_467 : vector<1x1x16xf32> to vector<16xf32>
      %swap3A_469 = vector.shape_cast %get3A_462 : vector<16xf32> to vector<1x1x16xf32>
      tpu.vector_store %arg8[%swap3A_464, %swap3A_465, %swap3A_466], %swap3A_469 {strides = array<i32>} : memref<4x64x128xf32, #tpu.memory_space<vmem>>, vector<1x1x16xf32>,
      %swap3A_470 = arith.constant 2 : i32
      %swap3A_471 = arith.index_cast %swap3A_470 : i32 to index
      %swap3A_472 = arith.index_cast %scan3A_360 : i32 to index
      %swap3A_473 = arith.constant 64 : index
      %swap3A_474 = tpu.vector_load %arg8[%swap3A_471, %swap3A_472, %swap3A_473] {strides = array<i32>} : memref<4x64x128xf32, #tpu.memory_space<vmem>>, vector<1x1x16xf32>,
      %swap3A_475 = vector.shape_cast %swap3A_474 : vector<1x1x16xf32> to vector<16xf32>
      %swap3A_476 = vector.shape_cast %get3A_462 : vector<16xf32> to vector<1x1x16xf32>
      tpu.vector_store %arg8[%swap3A_471, %swap3A_472, %swap3A_473], %swap3A_476 {strides = array<i32>} : memref<4x64x128xf32, #tpu.memory_space<vmem>>, vector<1x1x16xf32>,
      %swap3A_477 = arith.constant 3 : i32
      %swap3A_478 = arith.index_cast %swap3A_477 : i32 to index
      %swap3A_479 = arith.index_cast %scan3A_360 : i32 to index
      %swap3A_480 = arith.constant 64 : index
      %swap3A_481 = tpu.vector_load %arg8[%swap3A_478, %swap3A_479, %swap3A_480] {strides = array<i32>} : memref<4x64x128xf32, #tpu.memory_space<vmem>>, vector<1x1x16xf32>,
      %swap3A_482 = vector.shape_cast %swap3A_481 : vector<1x1x16xf32> to vector<16xf32>
      %swap3A_483 = vector.shape_cast %get3A_462 : vector<16xf32> to vector<1x1x16xf32>
      tpu.vector_store %arg8[%swap3A_478, %swap3A_479, %swap3A_480], %swap3A_483 {strides = array<i32>} : memref<4x64x128xf32, #tpu.memory_space<vmem>>, vector<1x1x16xf32>,
      %get3A_484 = arith.index_cast %scan3A_360 : i32 to index
      %get3A_485 = arith.constant 80 : index
      %get3A_486 = tpu.vector_load %arg7[%get3A_484, %get3A_485] {strides = array<i32>} : memref<64x128xf32, #tpu.memory_space<vmem>>, vector<1x16xf32>,
      %get3A_487 = vector.shape_cast %get3A_486 : vector<1x16xf32> to vector<16xf32>
      %swap3A_488 = arith.constant 1 : i32
      %swap3A_489 = arith.index_cast %swap3A_488 : i32 to index
      %swap3A_490 = arith.index_cast %scan3A_360 : i32 to index
      %swap3A_491 = arith.constant 80 : index
      %swap3A_492 = tpu.vector_load %arg8[%swap3A_489, %swap3A_490, %swap3A_491] {strides = array<i32>} : memref<4x64x128xf32, #tpu.memory_space<vmem>>, vector<1x1x16xf32>,
      %swap3A_493 = vector.shape_cast %swap3A_492 : vector<1x1x16xf32> to vector<16xf32>
      %swap3A_494 = vector.shape_cast %get3A_487 : vector<16xf32> to vector<1x1x16xf32>
      tpu.vector_store %arg8[%swap3A_489, %swap3A_490, %swap3A_491], %swap3A_494 {strides = array<i32>} : memref<4x64x128xf32, #tpu.memory_space<vmem>>, vector<1x1x16xf32>,
      %swap3A_495 = arith.constant 2 : i32
      %swap3A_496 = arith.index_cast %swap3A_495 : i32 to index
      %swap3A_497 = arith.index_cast %scan3A_360 : i32 to index
      %swap3A_498 = arith.constant 80 : index
      %swap3A_499 = tpu.vector_load %arg8[%swap3A_496, %swap3A_497, %swap3A_498] {strides = array<i32>} : memref<4x64x128xf32, #tpu.memory_space<vmem>>, vector<1x1x16xf32>,
      %swap3A_500 = vector.shape_cast %swap3A_499 : vector<1x1x16xf32> to vector<16xf32>
      %swap3A_501 = vector.shape_cast %get3A_487 : vector<16xf32> to vector<1x1x16xf32>
      tpu.vector_store %arg8[%swap3A_496, %swap3A_497, %swap3A_498], %swap3A_501 {strides = array<i32>} : memref<4x64x128xf32, #tpu.memory_space<vmem>>, vector<1x1x16xf32>,
      %swap3A_502 = arith.constant 3 : i32
      %swap3A_503 = arith.index_cast %swap3A_502 : i32 to index
      %swap3A_504 = arith.index_cast %scan3A_360 : i32 to index
      %swap3A_505 = arith.constant 80 : index
      %swap3A_506 = tpu.vector_load %arg8[%swap3A_503, %swap3A_504, %swap3A_505] {strides = array<i32>} : memref<4x64x128xf32, #tpu.memory_space<vmem>>, vector<1x1x16xf32>,
      %swap3A_507 = vector.shape_cast %swap3A_506 : vector<1x1x16xf32> to vector<16xf32>
      %swap3A_508 = vector.shape_cast %get3A_487 : vector<16xf32> to vector<1x1x16xf32>
      tpu.vector_store %arg8[%swap3A_503, %swap3A_504, %swap3A_505], %swap3A_508 {strides = array<i32>} : memref<4x64x128xf32, #tpu.memory_space<vmem>>, vector<1x1x16xf32>,
      %get3A_509 = arith.index_cast %scan3A_360 : i32 to index
      %get3A_510 = arith.constant 96 : index
      %get3A_511 = tpu.vector_load %arg7[%get3A_509, %get3A_510] {strides = array<i32>} : memref<64x128xf32, #tpu.memory_space<vmem>>, vector<1x16xf32>,
      %get3A_512 = vector.shape_cast %get3A_511 : vector<1x16xf32> to vector<16xf32>
      %swap3A_513 = arith.constant 1 : i32
      %swap3A_514 = arith.index_cast %swap3A_513 : i32 to index
      %swap3A_515 = arith.index_cast %scan3A_360 : i32 to index
      %swap3A_516 = arith.constant 96 : index
      %swap3A_517 = tpu.vector_load %arg8[%swap3A_514, %swap3A_515, %swap3A_516] {strides = array<i32>} : memref<4x64x128xf32, #tpu.memory_space<vmem>>, vector<1x1x16xf32>,
      %swap3A_518 = vector.shape_cast %swap3A_517 : vector<1x1x16xf32> to vector<16xf32>
      %swap3A_519 = vector.shape_cast %get3A_512 : vector<16xf32> to vector<1x1x16xf32>
      tpu.vector_store %arg8[%swap3A_514, %swap3A_515, %swap3A_516], %swap3A_519 {strides = array<i32>} : memref<4x64x128xf32, #tpu.memory_space<vmem>>, vector<1x1x16xf32>,
      %swap3A_520 = arith.constant 2 : i32
      %swap3A_521 = arith.index_cast %swap3A_520 : i32 to index
      %swap3A_522 = arith.index_cast %scan3A_360 : i32 to index
      %swap3A_523 = arith.constant 96 : index
      %swap3A_524 = tpu.vector_load %arg8[%swap3A_521, %swap3A_522, %swap3A_523] {strides = array<i32>} : memref<4x64x128xf32, #tpu.memory_space<vmem>>, vector<1x1x16xf32>,
      %swap3A_525 = vector.shape_cast %swap3A_524 : vector<1x1x16xf32> to vector<16xf32>
      %swap3A_526 = vector.shape_cast %get3A_512 : vector<16xf32> to vector<1x1x16xf32>
      tpu.vector_store %arg8[%swap3A_521, %swap3A_522, %swap3A_523], %swap3A_526 {strides = array<i32>} : memref<4x64x128xf32, #tpu.memory_space<vmem>>, vector<1x1x16xf32>,
      %swap3A_527 = arith.constant 3 : i32
      %swap3A_528 = arith.index_cast %swap3A_527 : i32 to index
      %swap3A_529 = arith.index_cast %scan3A_360 : i32 to index
      %swap3A_530 = arith.constant 96 : index
      %swap3A_531 = tpu.vector_load %arg8[%swap3A_528, %swap3A_529, %swap3A_530] {strides = array<i32>} : memref<4x64x128xf32, #tpu.memory_space<vmem>>, vector<1x1x16xf32>,
      %swap3A_532 = vector.shape_cast %swap3A_531 : vector<1x1x16xf32> to vector<16xf32>
      %swap3A_533 = vector.shape_cast %get3A_512 : vector<16xf32> to vector<1x1x16xf32>
      tpu.vector_store %arg8[%swap3A_528, %swap3A_529, %swap3A_530], %swap3A_533 {strides = array<i32>} : memref<4x64x128xf32, #tpu.memory_space<vmem>>, vector<1x1x16xf32>,
      %get3A_534 = arith.index_cast %scan3A_360 : i32 to index
      %get3A_535 = arith.constant 112 : index
      %get3A_536 = tpu.vector_load %arg7[%get3A_534, %get3A_535] {strides = array<i32>} : memref<64x128xf32, #tpu.memory_space<vmem>>, vector<1x16xf32>,
      %get3A_537 = vector.shape_cast %get3A_536 : vector<1x16xf32> to vector<16xf32>
      %swap3A_538 = arith.constant 1 : i32
      %swap3A_539 = arith.index_cast %swap3A_538 : i32 to index
      %swap3A_540 = arith.index_cast %scan3A_360 : i32 to index
      %swap3A_541 = arith.constant 112 : index
      %swap3A_542 = tpu.vector_load %arg8[%swap3A_539, %swap3A_540, %swap3A_541] {strides = array<i32>} : memref<4x64x128xf32, #tpu.memory_space<vmem>>, vector<1x1x16xf32>,
      %swap3A_543 = vector.shape_cast %swap3A_542 : vector<1x1x16xf32> to vector<16xf32>
      %swap3A_544 = vector.shape_cast %get3A_537 : vector<16xf32> to vector<1x1x16xf32>
      tpu.vector_store %arg8[%swap3A_539, %swap3A_540, %swap3A_541], %swap3A_544 {strides = array<i32>} : memref<4x64x128xf32, #tpu.memory_space<vmem>>, vector<1x1x16xf32>,
      %swap3A_545 = arith.constant 2 : i32
      %swap3A_546 = arith.index_cast %swap3A_545 : i32 to index
      %swap3A_547 = arith.index_cast %scan3A_360 : i32 to index
      %swap3A_548 = arith.constant 112 : index
      %swap3A_549 = tpu.vector_load %arg8[%swap3A_546, %swap3A_547, %swap3A_548] {strides = array<i32>} : memref<4x64x128xf32, #tpu.memory_space<vmem>>, vector<1x1x16xf32>,
      %swap3A_550 = vector.shape_cast %swap3A_549 : vector<1x1x16xf32> to vector<16xf32>
      %swap3A_551 = vector.shape_cast %get3A_537 : vector<16xf32> to vector<1x1x16xf32>
      tpu.vector_store %arg8[%swap3A_546, %swap3A_547, %swap3A_548], %swap3A_551 {strides = array<i32>} : memref<4x64x128xf32, #tpu.memory_space<vmem>>, vector<1x1x16xf32>,
      %swap3A_552 = arith.constant 3 : i32
      %swap3A_553 = arith.index_cast %swap3A_552 : i32 to index
      %swap3A_554 = arith.index_cast %scan3A_360 : i32 to index
      %swap3A_555 = arith.constant 112 : index
      %swap3A_556 = tpu.vector_load %arg8[%swap3A_553, %swap3A_554, %swap3A_555] {strides = array<i32>} : memref<4x64x128xf32, #tpu.memory_space<vmem>>, vector<1x1x16xf32>,
      %swap3A_557 = vector.shape_cast %swap3A_556 : vector<1x1x16xf32> to vector<16xf32>
      %swap3A_558 = vector.shape_cast %get3A_537 : vector<16xf32> to vector<1x1x16xf32>
      tpu.vector_store %arg8[%swap3A_553, %swap3A_554, %swap3A_555], %swap3A_558 {strides = array<i32>} : memref<4x64x128xf32, #tpu.memory_space<vmem>>, vector<1x1x16xf32>,
    }
    %scan3A_147 = arith.constant 64 : i32
    %dma_start3A_148 = arith.constant 1 : i32
    %dma_start3A_149 = arith.constant 1 : i32
    %dma_start3A_150 = arith.constant 0 : i32
    %dma_start3A_151 = arith.constant 0 : i32
    %dma_start3A_152 = tpu.memref_slice %arg8[%dma_start3A_149, %dma_start3A_150, %dma_start3A_151] : memref<4x64x128xf32, #tpu.memory_space<vmem>> -> memref<1x64x128xf32, #tpu.memory_space<vmem>>
    %dma_start3A_153 = tpu.memref_squeeze %dma_start3A_152 : memref<1x64x128xf32, #tpu.memory_space<vmem>> -> memref<64x128xf32, #tpu.memory_space<vmem>>
    %dma_start3A_154 = arith.constant 0 : i32
    %dma_start3A_155 = tpu.memref_slice %arg6[%dma_start3A_148, %dma_start3A_154] : memref<4x64xi32, #tpu.memory_space<vmem>> -> memref<1x64xi32, #tpu.memory_space<vmem>>
    %dma_start3A_156 = tpu.memref_squeeze %dma_start3A_155 : memref<1x64xi32, #tpu.memory_space<vmem>> -> memref<64xi32, #tpu.memory_space<vmem>>
    %dma_start3A_157 = arith.constant 0 : i32
    %dma_start3A_158 = arith.constant 0 : i32
    %dma_start3A_159 = tpu.memref_slice %arg4[%dma_start3A_157, %dma_start3A_158] : memref<100000x128xf32, #tpu.memory_space<hbm>> -> memref<100000x128xf32, #tpu.memory_space<hbm>>
    tpu.enqueue_indirect_dma source(%dma_start3A_159 : memref<100000x128xf32, #tpu.memory_space<hbm>>) target(%dma_start3A_153 : memref<64x128xf32, #tpu.memory_space<vmem>>) offsets(%dma_start3A_156 : memref<64xi32, #tpu.memory_space<vmem>>) semaphore(%arg13 : memref<!tpu.dma_semaphore, #tpu.memory_space<semaphore_mem>>) {add = true}
    %dma_start3A_160 = arith.constant 2 : i32
    %dma_start3A_161 = arith.constant 2 : i32
    %dma_start3A_162 = arith.constant 0 : i32
    %dma_start3A_163 = arith.constant 0 : i32
    %dma_start3A_164 = tpu.memref_slice %arg8[%dma_start3A_161, %dma_start3A_162, %dma_start3A_163] : memref<4x64x128xf32, #tpu.memory_space<vmem>> -> memref<1x64x128xf32, #tpu.memory_space<vmem>>
    %dma_start3A_165 = tpu.memref_squeeze %dma_start3A_164 : memref<1x64x128xf32, #tpu.memory_space<vmem>> -> memref<64x128xf32, #tpu.memory_space<vmem>>
    %dma_start3A_166 = arith.constant 0 : i32
    %dma_start3A_167 = tpu.memref_slice %arg6[%dma_start3A_160, %dma_start3A_166] : memref<4x64xi32, #tpu.memory_space<vmem>> -> memref<1x64xi32, #tpu.memory_space<vmem>>
    %dma_start3A_168 = tpu.memref_squeeze %dma_start3A_167 : memref<1x64xi32, #tpu.memory_space<vmem>> -> memref<64xi32, #tpu.memory_space<vmem>>
    %dma_start3A_169 = arith.constant 0 : i32
    %dma_start3A_170 = arith.constant 0 : i32
    %dma_start3A_171 = tpu.memref_slice %arg4[%dma_start3A_169, %dma_start3A_170] : memref<100000x128xf32, #tpu.memory_space<hbm>> -> memref<100000x128xf32, #tpu.memory_space<hbm>>
    tpu.enqueue_indirect_dma source(%dma_start3A_171 : memref<100000x128xf32, #tpu.memory_space<hbm>>) target(%dma_start3A_165 : memref<64x128xf32, #tpu.memory_space<vmem>>) offsets(%dma_start3A_168 : memref<64xi32, #tpu.memory_space<vmem>>) semaphore(%arg14 : memref<!tpu.dma_semaphore, #tpu.memory_space<semaphore_mem>>) {add = true}
    %dma_start3A_172 = arith.constant 3 : i32
    %dma_start3A_173 = arith.constant 3 : i32
    %dma_start3A_174 = arith.constant 0 : i32
    %dma_start3A_175 = arith.constant 0 : i32
    %dma_start3A_176 = tpu.memref_slice %arg8[%dma_start3A_173, %dma_start3A_174, %dma_start3A_175] : memref<4x64x128xf32, #tpu.memory_space<vmem>> -> memref<1x64x128xf32, #tpu.memory_space<vmem>>
    %dma_start3A_177 = tpu.memref_squeeze %dma_start3A_176 : memref<1x64x128xf32, #tpu.memory_space<vmem>> -> memref<64x128xf32, #tpu.memory_space<vmem>>
    %dma_start3A_178 = arith.constant 0 : i32
    %dma_start3A_179 = tpu.memref_slice %arg6[%dma_start3A_172, %dma_start3A_178] : memref<4x64xi32, #tpu.memory_space<vmem>> -> memref<1x64xi32, #tpu.memory_space<vmem>>
    %dma_start3A_180 = tpu.memref_squeeze %dma_start3A_179 : memref<1x64xi32, #tpu.memory_space<vmem>> -> memref<64xi32, #tpu.memory_space<vmem>>
    %dma_start3A_181 = arith.constant 0 : i32
    %dma_start3A_182 = arith.constant 0 : i32
    %dma_start3A_183 = tpu.memref_slice %arg4[%dma_start3A_181, %dma_start3A_182] : memref<100000x128xf32, #tpu.memory_space<hbm>> -> memref<100000x128xf32, #tpu.memory_space<hbm>>
    tpu.enqueue_indirect_dma source(%dma_start3A_183 : memref<100000x128xf32, #tpu.memory_space<hbm>>) target(%dma_start3A_177 : memref<64x128xf32, #tpu.memory_space<vmem>>) offsets(%dma_start3A_180 : memref<64xi32, #tpu.memory_space<vmem>>) semaphore(%arg15 : memref<!tpu.dma_semaphore, #tpu.memory_space<semaphore_mem>>) {add = true}
    %dma_wait3A_184 = arith.constant 0 : i32
    %dma_wait3A_185 = arith.constant 0 : i32
    %dma_wait3A_186 = arith.constant 0 : i32
    %dma_wait3A_187 = arith.constant 0 : i32
    %dma_wait3A_188 = tpu.memref_slice %arg8[%dma_wait3A_185, %dma_wait3A_186, %dma_wait3A_187] : memref<4x64x128xf32, #tpu.memory_space<vmem>> -> memref<1x64x128xf32, #tpu.memory_space<vmem>>
    %dma_wait3A_189 = tpu.memref_squeeze %dma_wait3A_188 : memref<1x64x128xf32, #tpu.memory_space<vmem>> -> memref<64x128xf32, #tpu.memory_space<vmem>>
    %dma_wait3A_190 = arith.constant 0 : i32
    %dma_wait3A_191 = tpu.memref_slice %arg6[%dma_wait3A_184, %dma_wait3A_190] : memref<4x64xi32, #tpu.memory_space<vmem>> -> memref<1x64xi32, #tpu.memory_space<vmem>>
    %dma_wait3A_192 = tpu.memref_squeeze %dma_wait3A_191 : memref<1x64xi32, #tpu.memory_space<vmem>> -> memref<64xi32, #tpu.memory_space<vmem>>
    %dma_wait3A_193 = arith.constant 0 : i32
    %dma_wait3A_194 = arith.constant 0 : i32
    %dma_wait3A_195 = tpu.memref_slice %arg4[%dma_wait3A_193, %dma_wait3A_194] : memref<100000x128xf32, #tpu.memory_space<hbm>> -> memref<100000x128xf32, #tpu.memory_space<hbm>>
    tpu.wait_indirect_dma semaphore(%arg12 : memref<!tpu.dma_semaphore, #tpu.memory_space<semaphore_mem>>) src(%dma_wait3A_195 : memref<100000x128xf32, #tpu.memory_space<hbm>>) dst(%dma_wait3A_189 : memref<64x128xf32, #tpu.memory_space<vmem>>)
    %dma_start3A_196 = arith.constant 0 : i32
    %dma_start3A_197 = arith.constant 0 : i32
    %dma_start3A_198 = arith.constant 0 : i32
    %dma_start3A_199 = arith.constant 0 : i32
    %dma_start3A_200 = tpu.memref_slice %arg8[%dma_start3A_196, %dma_start3A_198, %dma_start3A_199] : memref<4x64x128xf32, #tpu.memory_space<vmem>> -> memref<1x64x128xf32, #tpu.memory_space<vmem>>
    %dma_start3A_201 = tpu.memref_squeeze %dma_start3A_200 : memref<1x64x128xf32, #tpu.memory_space<vmem>> -> memref<64x128xf32, #tpu.memory_space<vmem>>
    %dma_start3A_202 = arith.constant 0 : i32
    %dma_start3A_203 = tpu.memref_slice %arg5[%dma_start3A_197, %mul3A_2, %dma_start3A_202] : memref<4x2048x128xf32, #tpu.memory_space<hbm>> -> memref<1x64x128xf32, #tpu.memory_space<hbm>>
    %dma_start3A_204 = tpu.memref_squeeze %dma_start3A_203 : memref<1x64x128xf32, #tpu.memory_space<hbm>> -> memref<64x128xf32, #tpu.memory_space<hbm>>
    %dma_start3A_205 = arith.constant 0 : i32
    %dma_start3A_206 = tpu.memref_slice %arg5[%dma_start3A_197, %mul3A_2, %dma_start3A_205] : memref<4x2048x128xf32, #tpu.memory_space<hbm>> -> memref<1x64x128xf32, #tpu.memory_space<hbm>>
    %dma_start3A_207 = tpu.memref_squeeze %dma_start3A_206 : memref<1x64x128xf32, #tpu.memory_space<hbm>> -> memref<64x128xf32, #tpu.memory_space<hbm>>
    %dma_start3A_208 = arith.constant 0 : i32
    %dma_start3A_209 = arith.constant 0 : i32
    %dma_start3A_210 = tpu.memref_slice %arg8[%dma_start3A_196, %dma_start3A_208, %dma_start3A_209] : memref<4x64x128xf32, #tpu.memory_space<vmem>> -> memref<1x64x128xf32, #tpu.memory_space<vmem>>
    %dma_start3A_211 = tpu.memref_squeeze %dma_start3A_210 : memref<1x64x128xf32, #tpu.memory_space<vmem>> -> memref<64x128xf32, #tpu.memory_space<vmem>>
    tpu.enqueue_dma source(%dma_start3A_211 : memref<64x128xf32, #tpu.memory_space<vmem>>) target(%dma_start3A_207 : memref<64x128xf32, #tpu.memory_space<hbm>>) target_semaphore(%arg16 : memref<!tpu.dma_semaphore, #tpu.memory_space<semaphore_mem>>)
    %dma_wait3A_212 = arith.constant 1 : i32
    %dma_wait3A_213 = arith.constant 1 : i32
    %dma_wait3A_214 = arith.constant 0 : i32
    %dma_wait3A_215 = arith.constant 0 : i32
    %dma_wait3A_216 = tpu.memref_slice %arg8[%dma_wait3A_213, %dma_wait3A_214, %dma_wait3A_215] : memref<4x64x128xf32, #tpu.memory_space<vmem>> -> memref<1x64x128xf32, #tpu.memory_space<vmem>>
    %dma_wait3A_217 = tpu.memref_squeeze %dma_wait3A_216 : memref<1x64x128xf32, #tpu.memory_space<vmem>> -> memref<64x128xf32, #tpu.memory_space<vmem>>
    %dma_wait3A_218 = arith.constant 0 : i32
    %dma_wait3A_219 = tpu.memref_slice %arg6[%dma_wait3A_212, %dma_wait3A_218] : memref<4x64xi32, #tpu.memory_space<vmem>> -> memref<1x64xi32, #tpu.memory_space<vmem>>
    %dma_wait3A_220 = tpu.memref_squeeze %dma_wait3A_219 : memref<1x64xi32, #tpu.memory_space<vmem>> -> memref<64xi32, #tpu.memory_space<vmem>>
    %dma_wait3A_221 = arith.constant 0 : i32
    %dma_wait3A_222 = arith.constant 0 : i32
    %dma_wait3A_223 = tpu.memref_slice %arg4[%dma_wait3A_221, %dma_wait3A_222] : memref<100000x128xf32, #tpu.memory_space<hbm>> -> memref<100000x128xf32, #tpu.memory_space<hbm>>
    tpu.wait_indirect_dma semaphore(%arg13 : memref<!tpu.dma_semaphore, #tpu.memory_space<semaphore_mem>>) src(%dma_wait3A_223 : memref<100000x128xf32, #tpu.memory_space<hbm>>) dst(%dma_wait3A_217 : memref<64x128xf32, #tpu.memory_space<vmem>>)
    %dma_start3A_224 = arith.constant 1 : i32
    %dma_start3A_225 = arith.constant 1 : i32
    %dma_start3A_226 = arith.constant 0 : i32
    %dma_start3A_227 = arith.constant 0 : i32
    %dma_start3A_228 = tpu.memref_slice %arg8[%dma_start3A_224, %dma_start3A_226, %dma_start3A_227] : memref<4x64x128xf32, #tpu.memory_space<vmem>> -> memref<1x64x128xf32, #tpu.memory_space<vmem>>
    %dma_start3A_229 = tpu.memref_squeeze %dma_start3A_228 : memref<1x64x128xf32, #tpu.memory_space<vmem>> -> memref<64x128xf32, #tpu.memory_space<vmem>>
    %dma_start3A_230 = arith.constant 0 : i32
    %dma_start3A_231 = tpu.memref_slice %arg5[%dma_start3A_225, %mul3A_2, %dma_start3A_230] : memref<4x2048x128xf32, #tpu.memory_space<hbm>> -> memref<1x64x128xf32, #tpu.memory_space<hbm>>
    %dma_start3A_232 = tpu.memref_squeeze %dma_start3A_231 : memref<1x64x128xf32, #tpu.memory_space<hbm>> -> memref<64x128xf32, #tpu.memory_space<hbm>>
    %dma_start3A_233 = arith.constant 0 : i32
    %dma_start3A_234 = tpu.memref_slice %arg5[%dma_start3A_225, %mul3A_2, %dma_start3A_233] : memref<4x2048x128xf32, #tpu.memory_space<hbm>> -> memref<1x64x128xf32, #tpu.memory_space<hbm>>
    %dma_start3A_235 = tpu.memref_squeeze %dma_start3A_234 : memref<1x64x128xf32, #tpu.memory_space<hbm>> -> memref<64x128xf32, #tpu.memory_space<hbm>>
    %dma_start3A_236 = arith.constant 0 : i32
    %dma_start3A_237 = arith.constant 0 : i32
    %dma_start3A_238 = tpu.memref_slice %arg8[%dma_start3A_224, %dma_start3A_236, %dma_start3A_237] : memref<4x64x128xf32, #tpu.memory_space<vmem>> -> memref<1x64x128xf32, #tpu.memory_space<vmem>>
    %dma_start3A_239 = tpu.memref_squeeze %dma_start3A_238 : memref<1x64x128xf32, #tpu.memory_space<vmem>> -> memref<64x128xf32, #tpu.memory_space<vmem>>
    tpu.enqueue_dma source(%dma_start3A_239 : memref<64x128xf32, #tpu.memory_space<vmem>>) target(%dma_start3A_235 : memref<64x128xf32, #tpu.memory_space<hbm>>) target_semaphore(%arg17 : memref<!tpu.dma_semaphore, #tpu.memory_space<semaphore_mem>>)
    %dma_wait3A_240 = arith.constant 2 : i32
    %dma_wait3A_241 = arith.constant 2 : i32
    %dma_wait3A_242 = arith.constant 0 : i32
    %dma_wait3A_243 = arith.constant 0 : i32
    %dma_wait3A_244 = tpu.memref_slice %arg8[%dma_wait3A_241, %dma_wait3A_242, %dma_wait3A_243] : memref<4x64x128xf32, #tpu.memory_space<vmem>> -> memref<1x64x128xf32, #tpu.memory_space<vmem>>
    %dma_wait3A_245 = tpu.memref_squeeze %dma_wait3A_244 : memref<1x64x128xf32, #tpu.memory_space<vmem>> -> memref<64x128xf32, #tpu.memory_space<vmem>>
    %dma_wait3A_246 = arith.constant 0 : i32
    %dma_wait3A_247 = tpu.memref_slice %arg6[%dma_wait3A_240, %dma_wait3A_246] : memref<4x64xi32, #tpu.memory_space<vmem>> -> memref<1x64xi32, #tpu.memory_space<vmem>>
    %dma_wait3A_248 = tpu.memref_squeeze %dma_wait3A_247 : memref<1x64xi32, #tpu.memory_space<vmem>> -> memref<64xi32, #tpu.memory_space<vmem>>
    %dma_wait3A_249 = arith.constant 0 : i32
    %dma_wait3A_250 = arith.constant 0 : i32
    %dma_wait3A_251 = tpu.memref_slice %arg4[%dma_wait3A_249, %dma_wait3A_250] : memref<100000x128xf32, #tpu.memory_space<hbm>> -> memref<100000x128xf32, #tpu.memory_space<hbm>>
    tpu.wait_indirect_dma semaphore(%arg14 : memref<!tpu.dma_semaphore, #tpu.memory_space<semaphore_mem>>) src(%dma_wait3A_251 : memref<100000x128xf32, #tpu.memory_space<hbm>>) dst(%dma_wait3A_245 : memref<64x128xf32, #tpu.memory_space<vmem>>)
    %dma_start3A_252 = arith.constant 2 : i32
    %dma_start3A_253 = arith.constant 2 : i32
    %dma_start3A_254 = arith.constant 0 : i32
    %dma_start3A_255 = arith.constant 0 : i32
    %dma_start3A_256 = tpu.memref_slice %arg8[%dma_start3A_252, %dma_start3A_254, %dma_start3A_255] : memref<4x64x128xf32, #tpu.memory_space<vmem>> -> memref<1x64x128xf32, #tpu.memory_space<vmem>>
    %dma_start3A_257 = tpu.memref_squeeze %dma_start3A_256 : memref<1x64x128xf32, #tpu.memory_space<vmem>> -> memref<64x128xf32, #tpu.memory_space<vmem>>
    %dma_start3A_258 = arith.constant 0 : i32
    %dma_start3A_259 = tpu.memref_slice %arg5[%dma_start3A_253, %mul3A_2, %dma_start3A_258] : memref<4x2048x128xf32, #tpu.memory_space<hbm>> -> memref<1x64x128xf32, #tpu.memory_space<hbm>>
    %dma_start3A_260 = tpu.memref_squeeze %dma_start3A_259 : memref<1x64x128xf32, #tpu.memory_space<hbm>> -> memref<64x128xf32, #tpu.memory_space<hbm>>
    %dma_start3A_261 = arith.constant 0 : i32
    %dma_start3A_262 = tpu.memref_slice %arg5[%dma_start3A_253, %mul3A_2, %dma_start3A_261] : memref<4x2048x128xf32, #tpu.memory_space<hbm>> -> memref<1x64x128xf32, #tpu.memory_space<hbm>>
    %dma_start3A_263 = tpu.memref_squeeze %dma_start3A_262 : memref<1x64x128xf32, #tpu.memory_space<hbm>> -> memref<64x128xf32, #tpu.memory_space<hbm>>
    %dma_start3A_264 = arith.constant 0 : i32
    %dma_start3A_265 = arith.constant 0 : i32
    %dma_start3A_266 = tpu.memref_slice %arg8[%dma_start3A_252, %dma_start3A_264, %dma_start3A_265] : memref<4x64x128xf32, #tpu.memory_space<vmem>> -> memref<1x64x128xf32, #tpu.memory_space<vmem>>
    %dma_start3A_267 = tpu.memref_squeeze %dma_start3A_266 : memref<1x64x128xf32, #tpu.memory_space<vmem>> -> memref<64x128xf32, #tpu.memory_space<vmem>>
    tpu.enqueue_dma source(%dma_start3A_267 : memref<64x128xf32, #tpu.memory_space<vmem>>) target(%dma_start3A_263 : memref<64x128xf32, #tpu.memory_space<hbm>>) target_semaphore(%arg18 : memref<!tpu.dma_semaphore, #tpu.memory_space<semaphore_mem>>)
    %dma_wait3A_268 = arith.constant 3 : i32
    %dma_wait3A_269 = arith.constant 3 : i32
    %dma_wait3A_270 = arith.constant 0 : i32
    %dma_wait3A_271 = arith.constant 0 : i32
    %dma_wait3A_272 = tpu.memref_slice %arg8[%dma_wait3A_269, %dma_wait3A_270, %dma_wait3A_271] : memref<4x64x128xf32, #tpu.memory_space<vmem>> -> memref<1x64x128xf32, #tpu.memory_space<vmem>>
    %dma_wait3A_273 = tpu.memref_squeeze %dma_wait3A_272 : memref<1x64x128xf32, #tpu.memory_space<vmem>> -> memref<64x128xf32, #tpu.memory_space<vmem>>
    %dma_wait3A_274 = arith.constant 0 : i32
    %dma_wait3A_275 = tpu.memref_slice %arg6[%dma_wait3A_268, %dma_wait3A_274] : memref<4x64xi32, #tpu.memory_space<vmem>> -> memref<1x64xi32, #tpu.memory_space<vmem>>
    %dma_wait3A_276 = tpu.memref_squeeze %dma_wait3A_275 : memref<1x64xi32, #tpu.memory_space<vmem>> -> memref<64xi32, #tpu.memory_space<vmem>>
    %dma_wait3A_277 = arith.constant 0 : i32
    %dma_wait3A_278 = arith.constant 0 : i32
    %dma_wait3A_279 = tpu.memref_slice %arg4[%dma_wait3A_277, %dma_wait3A_278] : memref<100000x128xf32, #tpu.memory_space<hbm>> -> memref<100000x128xf32, #tpu.memory_space<hbm>>
    tpu.wait_indirect_dma semaphore(%arg15 : memref<!tpu.dma_semaphore, #tpu.memory_space<semaphore_mem>>) src(%dma_wait3A_279 : memref<100000x128xf32, #tpu.memory_space<hbm>>) dst(%dma_wait3A_273 : memref<64x128xf32, #tpu.memory_space<vmem>>)
    %dma_start3A_280 = arith.constant 3 : i32
    %dma_start3A_281 = arith.constant 3 : i32
    %dma_start3A_282 = arith.constant 0 : i32
    %dma_start3A_283 = arith.constant 0 : i32
    %dma_start3A_284 = tpu.memref_slice %arg8[%dma_start3A_280, %dma_start3A_282, %dma_start3A_283] : memref<4x64x128xf32, #tpu.memory_space<vmem>> -> memref<1x64x128xf32, #tpu.memory_space<vmem>>
    %dma_start3A_285 = tpu.memref_squeeze %dma_start3A_284 : memref<1x64x128xf32, #tpu.memory_space<vmem>> -> memref<64x128xf32, #tpu.memory_space<vmem>>
    %dma_start3A_286 = arith.constant 0 : i32
    %dma_start3A_287 = tpu.memref_slice %arg5[%dma_start3A_281, %mul3A_2, %dma_start3A_286] : memref<4x2048x128xf32, #tpu.memory_space<hbm>> -> memref<1x64x128xf32, #tpu.memory_space<hbm>>
    %dma_start3A_288 = tpu.memref_squeeze %dma_start3A_287 : memref<1x64x128xf32, #tpu.memory_space<hbm>> -> memref<64x128xf32, #tpu.memory_space<hbm>>
    %dma_start3A_289 = arith.constant 0 : i32
    %dma_start3A_290 = tpu.memref_slice %arg5[%dma_start3A_281, %mul3A_2, %dma_start3A_289] : memref<4x2048x128xf32, #tpu.memory_space<hbm>> -> memref<1x64x128xf32, #tpu.memory_space<hbm>>
    %dma_start3A_291 = tpu.memref_squeeze %dma_start3A_290 : memref<1x64x128xf32, #tpu.memory_space<hbm>> -> memref<64x128xf32, #tpu.memory_space<hbm>>
    %dma_start3A_292 = arith.constant 0 : i32
    %dma_start3A_293 = arith.constant 0 : i32
    %dma_start3A_294 = tpu.memref_slice %arg8[%dma_start3A_280, %dma_start3A_292, %dma_start3A_293] : memref<4x64x128xf32, #tpu.memory_space<vmem>> -> memref<1x64x128xf32, #tpu.memory_space<vmem>>
    %dma_start3A_295 = tpu.memref_squeeze %dma_start3A_294 : memref<1x64x128xf32, #tpu.memory_space<vmem>> -> memref<64x128xf32, #tpu.memory_space<vmem>>
    tpu.enqueue_dma source(%dma_start3A_295 : memref<64x128xf32, #tpu.memory_space<vmem>>) target(%dma_start3A_291 : memref<64x128xf32, #tpu.memory_space<hbm>>) target_semaphore(%arg19 : memref<!tpu.dma_semaphore, #tpu.memory_space<semaphore_mem>>)
    %dma_wait3A_296 = arith.constant 0 : i32
    %dma_wait3A_297 = arith.constant 0 : i32
    %dma_wait3A_298 = arith.constant 0 : i32
    %dma_wait3A_299 = arith.constant 0 : i32
    %dma_wait3A_300 = tpu.memref_slice %arg8[%dma_wait3A_296, %dma_wait3A_298, %dma_wait3A_299] : memref<4x64x128xf32, #tpu.memory_space<vmem>> -> memref<1x64x128xf32, #tpu.memory_space<vmem>>
    %dma_wait3A_301 = tpu.memref_squeeze %dma_wait3A_300 : memref<1x64x128xf32, #tpu.memory_space<vmem>> -> memref<64x128xf32, #tpu.memory_space<vmem>>
    %dma_wait3A_302 = arith.constant 0 : i32
    %dma_wait3A_303 = tpu.memref_slice %arg5[%dma_wait3A_297, %mul3A_2, %dma_wait3A_302] : memref<4x2048x128xf32, #tpu.memory_space<hbm>> -> memref<1x64x128xf32, #tpu.memory_space<hbm>>
    %dma_wait3A_304 = tpu.memref_squeeze %dma_wait3A_303 : memref<1x64x128xf32, #tpu.memory_space<hbm>> -> memref<64x128xf32, #tpu.memory_space<hbm>>
    %dma_wait3A_305 = arith.constant 0 : i32
    %dma_wait3A_306 = tpu.memref_slice %arg5[%dma_wait3A_297, %mul3A_2, %dma_wait3A_305] : memref<4x2048x128xf32, #tpu.memory_space<hbm>> -> memref<1x64x128xf32, #tpu.memory_space<hbm>>
    %dma_wait3A_307 = tpu.memref_squeeze %dma_wait3A_306 : memref<1x64x128xf32, #tpu.memory_space<hbm>> -> memref<64x128xf32, #tpu.memory_space<hbm>>
    %dma_wait3A_308 = arith.constant 0 : i32
    %dma_wait3A_309 = arith.constant 0 : i32
    %dma_wait3A_310 = tpu.memref_slice %arg8[%dma_wait3A_296, %dma_wait3A_308, %dma_wait3A_309] : memref<4x64x128xf32, #tpu.memory_space<vmem>> -> memref<1x64x128xf32, #tpu.memory_space<vmem>>
    %dma_wait3A_311 = tpu.memref_squeeze %dma_wait3A_310 : memref<1x64x128xf32, #tpu.memory_space<vmem>> -> memref<64x128xf32, #tpu.memory_space<vmem>>
    tpu.wait_dma2 semaphore(%arg16 : memref<!tpu.dma_semaphore, #tpu.memory_space<semaphore_mem>>) src(%dma_wait3A_311 : memref<64x128xf32, #tpu.memory_space<vmem>>) dst(%dma_wait3A_307 : memref<64x128xf32, #tpu.memory_space<hbm>>)
    %dma_wait3A_312 = arith.constant 1 : i32
    %dma_wait3A_313 = arith.constant 1 : i32
    %dma_wait3A_314 = arith.constant 0 : i32
    %dma_wait3A_315 = arith.constant 0 : i32
    %dma_wait3A_316 = tpu.memref_slice %arg8[%dma_wait3A_312, %dma_wait3A_314, %dma_wait3A_315] : memref<4x64x128xf32, #tpu.memory_space<vmem>> -> memref<1x64x128xf32, #tpu.memory_space<vmem>>
    %dma_wait3A_317 = tpu.memref_squeeze %dma_wait3A_316 : memref<1x64x128xf32, #tpu.memory_space<vmem>> -> memref<64x128xf32, #tpu.memory_space<vmem>>
    %dma_wait3A_318 = arith.constant 0 : i32
    %dma_wait3A_319 = tpu.memref_slice %arg5[%dma_wait3A_313, %mul3A_2, %dma_wait3A_318] : memref<4x2048x128xf32, #tpu.memory_space<hbm>> -> memref<1x64x128xf32, #tpu.memory_space<hbm>>
    %dma_wait3A_320 = tpu.memref_squeeze %dma_wait3A_319 : memref<1x64x128xf32, #tpu.memory_space<hbm>> -> memref<64x128xf32, #tpu.memory_space<hbm>>
    %dma_wait3A_321 = arith.constant 0 : i32
    %dma_wait3A_322 = tpu.memref_slice %arg5[%dma_wait3A_313, %mul3A_2, %dma_wait3A_321] : memref<4x2048x128xf32, #tpu.memory_space<hbm>> -> memref<1x64x128xf32, #tpu.memory_space<hbm>>
    %dma_wait3A_323 = tpu.memref_squeeze %dma_wait3A_322 : memref<1x64x128xf32, #tpu.memory_space<hbm>> -> memref<64x128xf32, #tpu.memory_space<hbm>>
    %dma_wait3A_324 = arith.constant 0 : i32
    %dma_wait3A_325 = arith.constant 0 : i32
    %dma_wait3A_326 = tpu.memref_slice %arg8[%dma_wait3A_312, %dma_wait3A_324, %dma_wait3A_325] : memref<4x64x128xf32, #tpu.memory_space<vmem>> -> memref<1x64x128xf32, #tpu.memory_space<vmem>>
    %dma_wait3A_327 = tpu.memref_squeeze %dma_wait3A_326 : memref<1x64x128xf32, #tpu.memory_space<vmem>> -> memref<64x128xf32, #tpu.memory_space<vmem>>
    tpu.wait_dma2 semaphore(%arg17 : memref<!tpu.dma_semaphore, #tpu.memory_space<semaphore_mem>>) src(%dma_wait3A_327 : memref<64x128xf32, #tpu.memory_space<vmem>>) dst(%dma_wait3A_323 : memref<64x128xf32, #tpu.memory_space<hbm>>)
    %dma_wait3A_328 = arith.constant 2 : i32
    %dma_wait3A_329 = arith.constant 2 : i32
    %dma_wait3A_330 = arith.constant 0 : i32
    %dma_wait3A_331 = arith.constant 0 : i32
    %dma_wait3A_332 = tpu.memref_slice %arg8[%dma_wait3A_328, %dma_wait3A_330, %dma_wait3A_331] : memref<4x64x128xf32, #tpu.memory_space<vmem>> -> memref<1x64x128xf32, #tpu.memory_space<vmem>>
    %dma_wait3A_333 = tpu.memref_squeeze %dma_wait3A_332 : memref<1x64x128xf32, #tpu.memory_space<vmem>> -> memref<64x128xf32, #tpu.memory_space<vmem>>
    %dma_wait3A_334 = arith.constant 0 : i32
    %dma_wait3A_335 = tpu.memref_slice %arg5[%dma_wait3A_329, %mul3A_2, %dma_wait3A_334] : memref<4x2048x128xf32, #tpu.memory_space<hbm>> -> memref<1x64x128xf32, #tpu.memory_space<hbm>>
    %dma_wait3A_336 = tpu.memref_squeeze %dma_wait3A_335 : memref<1x64x128xf32, #tpu.memory_space<hbm>> -> memref<64x128xf32, #tpu.memory_space<hbm>>
    %dma_wait3A_337 = arith.constant 0 : i32
    %dma_wait3A_338 = tpu.memref_slice %arg5[%dma_wait3A_329, %mul3A_2, %dma_wait3A_337] : memref<4x2048x128xf32, #tpu.memory_space<hbm>> -> memref<1x64x128xf32, #tpu.memory_space<hbm>>
    %dma_wait3A_339 = tpu.memref_squeeze %dma_wait3A_338 : memref<1x64x128xf32, #tpu.memory_space<hbm>> -> memref<64x128xf32, #tpu.memory_space<hbm>>
    %dma_wait3A_340 = arith.constant 0 : i32
    %dma_wait3A_341 = arith.constant 0 : i32
    %dma_wait3A_342 = tpu.memref_slice %arg8[%dma_wait3A_328, %dma_wait3A_340, %dma_wait3A_341] : memref<4x64x128xf32, #tpu.memory_space<vmem>> -> memref<1x64x128xf32, #tpu.memory_space<vmem>>
    %dma_wait3A_343 = tpu.memref_squeeze %dma_wait3A_342 : memref<1x64x128xf32, #tpu.memory_space<vmem>> -> memref<64x128xf32, #tpu.memory_space<vmem>>
    tpu.wait_dma2 semaphore(%arg18 : memref<!tpu.dma_semaphore, #tpu.memory_space<semaphore_mem>>) src(%dma_wait3A_343 : memref<64x128xf32, #tpu.memory_space<vmem>>) dst(%dma_wait3A_339 : memref<64x128xf32, #tpu.memory_space<hbm>>)
    %dma_wait3A_344 = arith.constant 3 : i32
    %dma_wait3A_345 = arith.constant 3 : i32
    %dma_wait3A_346 = arith.constant 0 : i32
    %dma_wait3A_347 = arith.constant 0 : i32
    %dma_wait3A_348 = tpu.memref_slice %arg8[%dma_wait3A_344, %dma_wait3A_346, %dma_wait3A_347] : memref<4x64x128xf32, #tpu.memory_space<vmem>> -> memref<1x64x128xf32, #tpu.memory_space<vmem>>
    %dma_wait3A_349 = tpu.memref_squeeze %dma_wait3A_348 : memref<1x64x128xf32, #tpu.memory_space<vmem>> -> memref<64x128xf32, #tpu.memory_space<vmem>>
    %dma_wait3A_350 = arith.constant 0 : i32
    %dma_wait3A_351 = tpu.memref_slice %arg5[%dma_wait3A_345, %mul3A_2, %dma_wait3A_350] : memref<4x2048x128xf32, #tpu.memory_space<hbm>> -> memref<1x64x128xf32, #tpu.memory_space<hbm>>
    %dma_wait3A_352 = tpu.memref_squeeze %dma_wait3A_351 : memref<1x64x128xf32, #tpu.memory_space<hbm>> -> memref<64x128xf32, #tpu.memory_space<hbm>>
    %dma_wait3A_353 = arith.constant 0 : i32
    %dma_wait3A_354 = tpu.memref_slice %arg5[%dma_wait3A_345, %mul3A_2, %dma_wait3A_353] : memref<4x2048x128xf32, #tpu.memory_space<hbm>> -> memref<1x64x128xf32, #tpu.memory_space<hbm>>
    %dma_wait3A_355 = tpu.memref_squeeze %dma_wait3A_354 : memref<1x64x128xf32, #tpu.memory_space<hbm>> -> memref<64x128xf32, #tpu.memory_space<hbm>>
    %dma_wait3A_356 = arith.constant 0 : i32
    %dma_wait3A_357 = arith.constant 0 : i32
    %dma_wait3A_358 = tpu.memref_slice %arg8[%dma_wait3A_344, %dma_wait3A_356, %dma_wait3A_357] : memref<4x64x128xf32, #tpu.memory_space<vmem>> -> memref<1x64x128xf32, #tpu.memory_space<vmem>>
    %dma_wait3A_359 = tpu.memref_squeeze %dma_wait3A_358 : memref<1x64x128xf32, #tpu.memory_space<vmem>> -> memref<64x128xf32, #tpu.memory_space<vmem>>
    tpu.wait_dma2 semaphore(%arg19 : memref<!tpu.dma_semaphore, #tpu.memory_space<semaphore_mem>>) src(%dma_wait3A_359 : memref<64x128xf32, #tpu.memory_space<vmem>>) dst(%dma_wait3A_355 : memref<64x128xf32, #tpu.memory_space<hbm>>)
    return
  }
}

</mosaic_0001>

<sc_bundles>
// kernel: run.3.cloned.1.call-start
scs
__scs_entry_jumppad:
0x0: {  	(pc) =	sbr.rel $0x88, $3  }
0x1: {  	(tag) =	ssettag $0x0;
	lr =	simm.s32 $0x1  }
0x2: {  	[smem:$0x3F9E] =	sst lr;
	_ =	strace $0xD0000000  }
0x3: {  	_ = 	snop  }
0x4: {  	_ = 	snop  }
0x5: {  	_ = 	snop  }
0x6: {  	_ = 	snop  }
0x7: {  	_ = 	snop  }
__scs_overlays_trampoline_lowered:
0x8: {  	[smem:$0x3FAD] =	sst s0  }
0x9: {  	[smem:$0x3FAE] =	sst s1  }
0xa: {  	[smem:$0x3FAF] =	sst s2  }
0xb: {  	[smem:$0x3FB0] =	sst s3  }
0xc: {  	[smem:$0x3FB1] =	sst s4  }
0xd: {  	[smem:$0x3FB2] =	sst s5  }
0xe: {  	[smem:$0x3FB3] =	sst s6  }
0xf: {  	[smem:$0x3FB4] =	sst s7  }
0x10: {  	[smem:$0x3FB5] =	sst s8  }
0x11: {  	[smem:$0x3FB6] =	sst s9;
	s0 =	simm.s32 @!p0 $0x0  }
0x12: {  	s1 =	sld [smem:$0x3F9C];
	s0 =	simm.s32 @p0 $0x1  }
0x13: {  	[smem:$0x3FB7] =	sst s0;
	s0 =	simm.s32 @!p1 $0x0  }
0x14: {  	s2 =	sld [smem:$0x3F9B];
	s0 =	simm.s32 @p1 $0x1  }
0x15: {  	[smem:$0x3FB8] =	sst s0;
	s0 =	simm.s32 @!p2 $0x0  }
0x16: {  	s3 =	sld [smem:$0x3FDB];
	s0 =	simm.s32 @p2 $0x1  }
0x17: {  	s4 =	simm.s32 $0x1BF5;
	[smem:$0x3FBA] =	sst s0  }
0x18: {  	s0 =	sld [smem:$0x3F9D];
	_ =	swait.ge [sflag:s4], $0x0  }
0x19: {  	s7 =	sld [smem:$0x3F9E]  }
0x1a: {  	s8 =	sadd.s32 $0xFFFFE003, lr  }
0x1b: {  	s9 =	sadd.s32 $0xFFFFFEF7, lr;
	s5 =	simm.s32 $0xFFFFFFFF;
	p2 =	slt.u32 s8, $0xFFFFF086  }
0x1c: {  	p1 =	slt.u32 s9, $0xF7A;
	s5 =	simm.s32 @!p2 $0x0  }
0x1d: {  	s5 =	simm.s32 @p1 $0x1;
	p0 =	seq.s32 s7, s2  }
0x1e: {  	s7 =	smul.u32 @!p0 $0xF7A, s2;
	p2 =	seq.s32 @!p0 s5, $0x0  }
0x1f: {  	s9 =	smul.u32 $0xF7A, s1;
	s8 =	simm.s32 @!p0 $0x1BF5;
	p2 =	por !p2, p0  }
0x20: {  	[sflag:s8] =	ssyncset.s32 @!p0 $0xFFFFF086;
	s6 =	sadd.s32 @!p0 s3, s7;
	s7 =	simm.s32 @!p0 $0x108  }
0x21: {  	s3 =	sadd.s32 s3, s9;
	s6 =	sadd.s32 @!p0 $0x88, s6;
	s7 =	simm.s32 @p2 $0x1082  }
0x22: {  	[simem:s7], [sflag:s8] =	dma.local @!p0 [hbm:s6], $0xF7A  }
0x23: {  	s9 =	sor.u32 $0xD0000000, s2;
	s6 =	simm.s32 $0x108;
	_ =	swait.ge @!p0 [sflag:s8], $0x0  }
0x24: {  	s3 =	sadd.s32 $0x88, s3;
	s6 =	simm.s32 @!p1 $0x1082;
	[sflag:s4] =	ssyncset.s32 $0xFFFFF086  }
0x25: {  	[simem:s6], [sflag:s4] =	dma.local [hbm:s3], $0xF7A  }
0x26: {  	[smem:$0x3F9E] =	sst s1;
	(tag) =	ssettag s2;
	_ =	strace s9  }
0x27: {  	s1 =	sld [smem:$0x3FAE]  }
0x28: {  	s2 =	sld [smem:$0x3FAF]  }
0x29: {  	s4 =	sld [smem:$0x3FB1]  }
0x2a: {  	p0 =	seq.s32 s5, $0x0;
	s5 =	sld [smem:$0x3FB2]  }
0x2b: {  	s6 =	sld [smem:$0x3FB3]  }
0x2c: {  	s7 =	sld [smem:$0x3FB4]  }
0x2d: {  	s3 =	simm.s32 $0x108;
	s8 =	sld [smem:$0x3FB5]  }
0x2e: {  	s3 =	simm.s32 @!p0 $0x1082;
	s9 =	sld [smem:$0x3FB6]  }
0x2f: {  	lr =	sadd.s32 s0, s3;
	s0 =	sld [smem:$0x3FAD]  }
0x30: {  	s3 =	sld [smem:$0x3FB0]  }
0x31: {  	[smem:$0x3FB9] =	sst s10  }
0x32: {  	s10 =	sld [smem:$0x3FB7];
	_ =	sdelay $0x3  }
0x33: {  	p0 =	seq.s32 s10, $0x1;
	s10 =	sld [smem:$0x3FB9];
	_ =	sdelay $0x3  }
0x34: {  	[smem:$0x3FB9] =	sst s10  }
0x35: {  	s10 =	sld [smem:$0x3FB8];
	_ =	sdelay $0x3  }
0x36: {  	p1 =	seq.s32 s10, $0x1;
	s10 =	sld [smem:$0x3FB9];
	_ =	sdelay $0x3  }
0x37: {  	[smem:$0x3FB9] =	sst s10  }
0x38: {  	s10 =	sld [smem:$0x3FBA]  }
0x39: {  	_ = 	snop;
	(pc) =	sbr.ind lr, $3  }
0x3a: {  	_ = 	snop  }
0x3b: {  	_ = 	snop  }
0x3c: {  	p2 =	seq.s32 s10, $0x1;
	s10 =	sld [smem:$0x3FB9]  }
0x3d: {  	_ =	shalt  }
0x3e: {  	_ =	shalt  }
0x3f: {  	_ =	shalt  }
0x40: {  	_ =	shalt  }
0x41: {  	_ =	shalt  }
0x42: {  	_ =	shalt  }
0x43: {  	_ =	shalt  }
0x44: {  	_ =	shalt  }
0x45: {  	_ =	shalt  }
0x46: {  	_ =	shalt  }
0x47: {  	_ =	shalt  }
0x48: {  	_ =	shalt  }
0x49: {  	_ =	shalt  }
0x4a: {  	_ =	shalt  }
0x4b: {  	_ =	shalt  }
0x4c: {  	_ =	shalt  }
0x4d: {  	_ =	shalt  }
0x4e: {  	_ =	shalt  }
0x4f: {  	_ =	shalt  }
0x50: {  	_ =	shalt  }
0x51: {  	_ =	shalt  }
0x52: {  	_ =	shalt  }
0x53: {  	_ =	shalt  }
0x54: {  	_ =	shalt  }
0x55: {  	_ =	shalt  }
0x56: {  	_ =	shalt  }
0x57: {  	_ =	shalt  }
0x58: {  	_ =	shalt  }
0x59: {  	_ =	shalt  }
0x5a: {  	_ =	shalt  }
0x5b: {  	_ =	shalt  }
0x5c: {  	_ =	shalt  }
0x5d: {  	_ =	shalt  }
0x5e: {  	_ =	shalt  }
0x5f: {  	_ =	shalt  }
0x60: {  	_ =	shalt  }
0x61: {  	_ =	shalt  }
0x62: {  	_ =	shalt  }
0x63: {  	_ =	shalt  }
0x64: {  	_ =	shalt  }
0x65: {  	_ =	shalt  }
0x66: {  	_ =	shalt  }
0x67: {  	_ =	shalt  }
0x68: {  	_ =	shalt  }
0x69: {  	_ =	shalt  }
0x6a: {  	_ =	shalt  }
0x6b: {  	_ =	shalt  }
0x6c: {  	_ =	shalt  }
0x6d: {  	_ =	shalt  }
0x6e: {  	_ =	shalt  }
0x6f: {  	_ =	shalt  }
0x70: {  	_ =	shalt  }
0x71: {  	_ =	shalt  }
0x72: {  	_ =	shalt  }
0x73: {  	_ =	shalt  }
0x74: {  	_ =	shalt  }
0x75: {  	_ =	shalt  }
0x76: {  	_ =	shalt  }
0x77: {  	_ =	shalt  }
0x78: {  	_ =	shalt  }
0x79: {  	_ =	shalt  }
0x7a: {  	_ =	shalt  }
0x7b: {  	_ =	shalt  }
0x7c: {  	_ =	shalt  }
0x7d: {  	_ =	shalt  }
0x7e: {  	_ =	shalt  }
0x7f: {  	_ =	shalt  }
0x80: {  	_ =	shalt  }
0x81: {  	_ =	shalt  }
0x82: {  	_ =	shalt  }
0x83: {  	_ =	shalt  }
0x84: {  	_ =	shalt  }
0x85: {  	_ =	shalt  }
0x86: {  	_ =	shalt  }
0x87: {  	_ =	shalt  }
.Lfunc_end0:
.L_simem_size_0:
called_computation_lowered:
.L_overlay_start_0:
0x88: {  	s2 =	sld [smem:$0x3FD9]  }
0x89: {  	s3 =	sld [smem:$0x3FFE];
	_ =	sdelay $0x1  }
0x8a: {  	s1 =	srdreg.scid  }
0x8b: {  	s0 =	sand.u32 $0x1, s1  }
0x8c: {  	s18 =	sshll.u32 s0, $0xA;
	s2 =	sadd.s32 s3, s2  }
0x8d: {  	s2 =	sadd.s32 s2, s18  }
0x8e: {  	[smem:$0x3FC5] =	sst s2  }
0x8f: {  	_ = 	snop  }
0x90: {  	s2 =	sld [smem:$0x3FC9]  }
0x91: {  	s19 =	sld [smem:$0x3FC8]  }
0x92: {  	s4 =	sld [smem:$0x3FC7]  }
0x93: {  	s5 =	sld [smem:$0x3FD0];
	(tm) =	ssettm $0x1  }
0x94: {  	s6 =	sld [smem:$0x3FFB];
	_ =	sdelay $0x3  }
0x95: {  	_ =	strace s6  }
0x96: {  	s6 =	sld [smem:$0x3FFC];
	_ =	sdelay $0x3  }
0x97: {  	_ =	strace s6  }
0x98: {  	s6 =	sld [smem:$0x3FFD];
	_ =	sdelay $0x3  }
0x99: {  	_ =	strace s6  }
0x9a: {  	_ =	strace $0x8FFFFFFF  }
0x9b: {  	s20 =	sld [smem:$0x3FDB];
	_ =	sdelay $0x1  }
0x9c: {  	s7 =	simm.s32 $_scs_section_size  }
0x9d: {  	s8 =	simm.s32 $_size__tile_overlayer_lowered;
	s9 =	simm.s32 $_tile_overlayer_lowered  }
0x9e: {  	s23 =	simm.s32 $0x1BFF;
	s22 =	sshll.u32 s9, $0x1;
	s6 =	sadd.s32 s7, s20  }
0x9f: {  	s10 =	simm.s32 $0x0;
	s21 =	sshll.u32 s8, $0x1;
	s8 =	sadd.s32 s22, s6  }
0xa0: {  	[timem:s10], [sflag:s23] =	dma.local [hbm:s8], s21  }
0xa1: {  	_ =	swait.ge [sflag:s23], s21  }
0xa2: {  	s7 =	ssub.s32 $0x0, s21;
	[sflag:s23] =	ssyncset.done $0x0  }
0xa3: {  	[sflag:s23] =	ssyncadd.s32 s7;
	_ =	sdelay $0x1  }
0xa4: {  	s24 =	simm.s32 $0x1B8B  }
0xa5: {  	_ =	swait.ge [sflag:s24], $0x1  }
0xa6: {  	[sflag:s24] =	ssyncset.done $0x0  }
0xa7: {  	s25 =	simm.s32 $0x1B8E;
	[sflag:s24] =	ssyncadd.s32 $0xFFFFFFFF  }
0xa8: {  	s26 =	simm.s32 $execute0_lowered;
	[smem:$0x3FD2] =	sst s25  }
0xa9: {  	s7 =	sshll.u32 s26, $0x1;
	_ =	strace $0x80000046;
	[dreg:$0x1] =	wrdreg $0xFFFFFFFF  }
0xaa: {  	s28 =	simm.s32 $_size_execute0_lowered;
	s6 =	sadd.s32 s6, s7;
	[dreg:$0x0] =	wrdreg $0x0  }
0xab: {  	s7 =	sshll.u32 s28, $0x1;
	[dreg:$0x2] =	wrdreg s6  }
0xac: {  	[dreg:$0x3] =	wrdreg s7  }
0xad: {  	[dreg:$0x4] =	wrdreg $0xC0  }
0xae: {  	_ =	task [dreg:s10], $0x5FFFF  }
0xaf: {  	[dreg:$0x1] =	wrdreg $0xFFFFFFFF  }
0xb0: {  	[dreg:$0x0] =	wrdreg $0x60  }
0xb1: {  	[dreg:$0x2] =	wrdreg s2  }
0xb2: {  	[dreg:$0x3] =	wrdreg s4  }
0xb3: {  	[dreg:$0x4] =	wrdreg s19  }
0xb4: {  	[dreg:$0x5] =	wrdreg s5  }
0xb5: {  	[dreg:$0x6] =	wrdreg $0x9  }
0xb6: {  	_ =	task.clear_ibuf [dreg:s10], $0x7FFFF;
	_ =	strace $0x90000046  }
0xb7: {  	s29 =	simm.s32 $0x9;
	_ =	strace $0x80000048  }
0xb8: {  	_ =	swait.ge [sflag:s29], $0x1  }
0xb9: {  	[sflag:s29] =	ssyncadd.s32 $0xFFFFFFFF  }
0xba: {  	_ =	strace $0x90000048  }
0xbb: {  	_ =	sfence  }
0xbc: {  	s30 =	sld [smem:$0x0];
	_ =	sdelay $0x2  }
0xbd: {  	s31 =	sshll.u32 s1, $0xD;
	s1 =	sshrl.u32 s1, $0x2  }
0xbe: {  	s3 =	sand.u32 $0x4000, s31;
	s1 =	sadd.s32 s1, s30  }
0xbf: {  	s0 =	sor.u32 s3, s0;
	s1 =	sshll.u32 s1, $0x11  }
0xc0: {  	s0 =	sor.u32 s1, s0  }
0xc1: {  	s0 =	sadd.s32 $0x8F2B, s0  }
0xc2: {  	[sflag:s0] =	ssyncadd.remote.s32 $0x1  }
0xc3: {  	_ =	sfence.sel $0xFFFF  }
0xc4: {  	[dreg:$0x0] =	wrdreg $0xFFFFFFFF;
	(pc) =	sbr.abs _section_cstart, $3  }
0xc5: {  	[dreg:$0x1] =	wrdreg $0xFFFFFFFF  }
0xc6: {  	_ =	task.clear_ibuf [dreg:s10], $0x2FFFF;
	_ =	strace $0x9FFFFFFF  }
0xc7: {  	(tm) =	ssettm $0x7FFFFFFF  }
tec
execute0_lowered:
.L_overlay_start_1:
0x0: {  	(tag) =	ssettag $0x1  }
0x1: {  	s0 =	rddreg [dreg:$0x0]  }
0x2: {  	s1 =	srdreg.scid;
	s4 =	rddreg [dreg:$0x1]  }
0x3: {  	s3 =	stileid.u32;
	s2 =	rddreg [dreg:$0x2]  }
0x4: {  	s6 =	rddreg [dreg:$0x3];
	s14 =	simm.s32 $0x80;
	s15 =	simm.s32 $0x100  }
0x5: {  	s16 =	simm.s32 $0x180;
	s18 =	simm.s32 $0x2200;
	s19 =	simm.s32 $0x3  }
0x6: {  	s20 =	simm.s32 $0x1;
	s21 =	simm.s32 $0x40;
	s22 =	simm.s32 $0x2  }
0x7: {  	s28 =	simm.s32 $0x5;
	s29 =	simm.s32 $0x6;
	s30 =	simm.s32 $0x7  }
0x8: {  	s31 =	simm.s32 $0x8;
	s17 =	simm.s32 $0xB;
	s1 =	sand.u32 $0x1, s1  }
0x9: {  	s3 =	sshll.u32 s3, $0x7;
	s5 =	sshll.u32 s1, $0x6;
	s1 =	ssub.s32 $0x2, s1  }
0xa: {  	s7 =	sor.u32 s5, s3;
	s3 =	simm.s32 $0x0;
	s10 =	sshrl.u32 s1, $0x1  }
0xb: {  	s8 =	sshll.u32 s7, $0x2;
	[smem:$0x7FF] =	sst s3;
	s1 =	ssub.s32 s1, s10  }
0xc: {  	s25 =	sshll.u32 s7, $0x4;
	s9 =	sand.u32 $0x1E00, s8;
	_ =	strace $0x80000047  }
0xd: {  	s7 =	sadd.s32 s6, s25;
	s13 =	smax.u32 s1, $0x1;
	s1 =	simm.s32 $0x9  }
0xe: {  	s9 =	sor.u32 s5, s9;
	s5 =	sor.u32 s5, s8;
	s10 =	sadd.s32 $0x8000, s7  }
0xf: {  	s11 =	sadd.s32 $0x10000, s7;
	s9 =	sshrl.u32 s9, $0x3;
	s5 =	sshrl.u32 s5, $0x3  }
0x10: {  	s12 =	sadd.s32 $0x18000, s7;
	s23 =	sadd.s32 s0, s9;
	s24 =	sor.u32 $0x20, s5  }
0x11: {  	s5 =	sor.u32 $0x30, s5;
	s9 =	sadd.s32 s4, s25;
	s25 =	simm.s32 $0x8200  }
0x12: {  	[dreg:$0x5] =	wrdreg s23;
	s8 =	sadd.s32 $0x10, s23;
	s26 =	sadd.s32 s0, s24  }
0x13: {  	s0 =	sadd.s32 s0, s5;
	s23 =	simm.s32 $0x4200;
	[dreg:$0x6] =	wrdreg s8  }
0x14: {  	s24 =	simm.s32 $0x6200;
	s5 =	simm.s32 $0x0;
	[dreg:$0x7] =	wrdreg s26  }
0x15: {  	[dreg:$0x8] =	wrdreg s0;
	s26 =	simm.s32 $0x4;
	s0 =	simm.s32 $0xA  }
.LBB2_1:
0x16: {  	s4 =	rddreg [dreg:$0x5]  }
0x17: {  	[tilespmem:s3], [sflag:$0x1] =	stream.linear.gather [hbm4b:s4+s3], $0x40, $0x38;
	[tilespmem:$0xA200] =	vst v63  }
0x18: {  	s6 =	rddreg [dreg:$0x6]  }
0x19: {  	[tilespmem:s14], [sflag:$0x1] =	stream.linear.gather [hbm4b:s6+s3], $0x40, $0x38;
	[tilespmem:$0xA200] =	vst v63  }
0x1a: {  	s8 =	rddreg [dreg:$0x7]  }
0x1b: {  	[tilespmem:s15], [sflag:$0x1] =	stream.linear.gather [hbm4b:s8+s3], $0x40, $0x38;
	[tilespmem:$0xA200] =	vst v63  }
0x1c: {  	s6 =	rddreg [dreg:$0x8]  }
0x1d: {  	[tilespmem:s16], [sflag:$0x1] =	stream.linear.gather [hbm4b:s6+s3], $0x40, $0x38;
	[tilespmem:$0xA200] =	vst v63  }
0x1e: {  	s8 =	simm.s32 $0x200  }
0x1f: {  	[tilespmem:s8], [sflag:$0x2] =	stream.linear.gather [hbm4b:s9+s3], $0x2000, $0x38;
	[tilespmem:$0xA200] =	vst v63  }
0x20: {  	_ = 	snop  }
0x21: {  	[tilespmem:s18], [sflag:$0x3] =	stream.linear.gather [hbm4b:s9+s3], $0x2000, $0x38;
	[tilespmem:$0xA200] =	vst v63  }
0x22: {  	_ =	swait.ge [sflag:s19], $0x2000  }
0x23: {  	[sflag:s19] =	ssyncset.done $0x0  }
0x24: {  	[sflag:s19] =	ssyncadd.s32 $0xFFFFE000  }
0x25: {  	_ =	swait.ge [sflag:s20], $0x40  }
0x26: {  	[sflag:s20] =	ssyncset.done $0x0  }
0x27: {  	[sflag:s20] =	ssyncadd.s32 $0xFFFFFFC0  }
0x28: {  	_ =	swait.ge [sflag:s20], $0x40  }
0x29: {  	[sflag:s20] =	ssyncset.done $0x0  }
0x2a: {  	[sflag:s20] =	ssyncadd.s32 $0xFFFFFFC0  }
0x2b: {  	_ =	swait.ge [sflag:s20], $0x40  }
0x2c: {  	[sflag:s20] =	ssyncset.done $0x0  }
0x2d: {  	[sflag:s20] =	ssyncadd.s32 $0xFFFFFFC0  }
0x2e: {  	_ =	swait.ge [sflag:s20], $0x40  }
0x2f: {  	[sflag:s20] =	ssyncset.done $0x0  }
0x30: {  	[sflag:s20] =	ssyncadd.s32 $0xFFFFFFC0  }
0x31: {  	[tilespmem:s18], [sflag:$0x4] =	stream.indirect.gather.add.f32 [hbm:s2], $0x80, s3, s21, $0xb8;
	[tilespmem:$0xA200] =	vst v63  }
0x32: {  	_ =	swait.ge [sflag:s22], $0x2000  }
0x33: {  	[sflag:s22] =	ssyncset.done $0x0  }
0x34: {  	s6 =	simm.s32 $0x0;
	[sflag:s22] =	ssyncadd.s32 $0xFFFFE000  }
0x35: {  	v0 =	vld [tilespmem:s6+$0x270]  }
0x36: {  	v2 =	vld [tilespmem:s6+$0x200];
	_ =	sdelay $0x2  }
0x37: {  	v3 =	vld [tilespmem:s6+$0x210]  }
0x38: {  	[tilespmem:s6+$0x8270] =	vst v0  }
0x39: {  	[tilespmem:s6+$0x4200] =	vst v2  }
0x3a: {  	v4 =	vld [tilespmem:s6+$0x220];
	[tilespmem:s6+$0x6200] =	vst v2  }
0x3b: {  	[tilespmem:s6+$0x8200] =	vst v2  }
0x3c: {  	[tilespmem:s6+$0x4210] =	vst v3  }
0x3d: {  	v5 =	vld [tilespmem:s6+$0x230];
	[tilespmem:s6+$0x6210] =	vst v3  }
0x3e: {  	[tilespmem:s6+$0x8210] =	vst v3  }
0x3f: {  	[tilespmem:s6+$0x4220] =	vst v4  }
0x40: {  	v6 =	vld [tilespmem:s6+$0x240];
	[tilespmem:s6+$0x6220] =	vst v4  }
0x41: {  	[tilespmem:s6+$0x8220] =	vst v4  }
0x42: {  	[tilespmem:s6+$0x4230] =	vst v5  }
0x43: {  	v7 =	vld [tilespmem:s6+$0x250];
	[tilespmem:s6+$0x6230] =	vst v5  }
0x44: {  	[tilespmem:s6+$0x8230] =	vst v5  }
0x45: {  	[tilespmem:s6+$0x4240] =	vst v6  }
0x46: {  	v1 =	vld [tilespmem:s6+$0x260];
	[tilespmem:s6+$0x6240] =	vst v6  }
0x47: {  	[tilespmem:s6+$0x8240] =	vst v6  }
0x48: {  	[tilespmem:s6+$0x4250] =	vst v7  }
0x49: {  	[tilespmem:s6+$0x6250] =	vst v7  }
0x4a: {  	s4 =	simm.s32 $0x400;
	s8 =	simm.s32 $0x80;
	[tilespmem:s6+$0x8250] =	vst v7  }
.LBB2_2:
0x4b: {  	p0 =	sne.s32 s4, $0x7E00;
	v2 =	vld [tilespmem:s8+$0x270];
	[tilespmem:s6+$0x4260] =	vst v1  }
0x4c: {  	v3 =	vld [tilespmem:s8+$0x200];
	[tilespmem:s6+$0x6260] =	vst v1  }
0x4d: {  	v4 =	vld [tilespmem:s8+$0x210];
	[tilespmem:s6+$0x8260] =	vst v1  }
0x4e: {  	v5 =	vld [tilespmem:s8+$0x220];
	[tilespmem:s6+$0x4270] =	vst v0  }
0x4f: {  	v6 =	vld [tilespmem:s8+$0x230];
	[tilespmem:s6+$0x6270] =	vst v0;
	s6 =	smov.u32 s8  }
0x50: {  	v7 =	vld [tilespmem:s6+$0x240];
	[tilespmem:s6+$0x8270] =	vst v2;
	v0 =	vmov v2  }
0x51: {  	[tilespmem:s6+$0x4200] =	vst v3;
	v2 =	vld [tilespmem:s6+$0x250]  }
0x52: {  	[tilespmem:s6+$0x6200] =	vst v3;
	v1 =	vld [tilespmem:s6+$0x260]  }
0x53: {  	[tilespmem:s6+$0x8200] =	vst v3  }
0x54: {  	[tilespmem:s6+$0x4210] =	vst v4  }
0x55: {  	[tilespmem:s6+$0x6210] =	vst v4  }
0x56: {  	[tilespmem:s6+$0x8210] =	vst v4  }
0x57: {  	[tilespmem:s6+$0x4220] =	vst v5  }
0x58: {  	[tilespmem:s6+$0x6220] =	vst v5  }
0x59: {  	[tilespmem:s6+$0x8220] =	vst v5  }
0x5a: {  	[tilespmem:s6+$0x4230] =	vst v6  }
0x5b: {  	[tilespmem:s6+$0x6230] =	vst v6  }
0x5c: {  	[tilespmem:s6+$0x8230] =	vst v6  }
0x5d: {  	[tilespmem:s6+$0x4240] =	vst v7  }
.Ltmp0:
0x5e: {  	[tilespmem:s6+$0x6240] =	vst v7;
	(pc) =	sbr.rel @p0 .LBB2_2-.Ltmp0, $4  }
0x5f: {  	[tilespmem:s6+$0x8240] =	vst v7  }
0x60: {  	[tilespmem:s6+$0x4250] =	vst v2  }
0x61: {  	[tilespmem:s6+$0x6250] =	vst v2  }
0x62: {  	s8 =	sshra.s32 s4, $0x2;
	s4 =	sadd.s32 $0x200, s4;
	[tilespmem:s6+$0x8250] =	vst v2  }
0x63: {  	v2 =	vld [tilespmem:s8+$0x270];
	[tilespmem:s6+$0x4260] =	vst v1  }
0x64: {  	v3 =	vld [tilespmem:s8+$0x200];
	[tilespmem:s6+$0x6260] =	vst v1  }
0x65: {  	v4 =	vld [tilespmem:s8+$0x210];
	[tilespmem:s6+$0x8260] =	vst v1  }
0x66: {  	v1 =	vld [tilespmem:s8+$0x220];
	[tilespmem:s6+$0x4270] =	vst v0  }
0x67: {  	v5 =	vld [tilespmem:s8+$0x230];
	[tilespmem:s6+$0x6270] =	vst v0  }
0x68: {  	[tilespmem:s8+$0x8270] =	vst v2  }
0x69: {  	[tilespmem:s8+$0x4270] =	vst v2  }
0x6a: {  	[tilespmem:s8+$0x6270] =	vst v2  }
0x6b: {  	[tilespmem:s8+$0x4200] =	vst v3  }
0x6c: {  	[tilespmem:s8+$0x6200] =	vst v3  }
0x6d: {  	[tilespmem:s8+$0x8200] =	vst v3  }
0x6e: {  	[tilespmem:s8+$0x4210] =	vst v4  }
0x6f: {  	[tilespmem:s8+$0x6210] =	vst v4  }
0x70: {  	[tilespmem:s8+$0x8210] =	vst v4  }
0x71: {  	[tilespmem:s8+$0x4220] =	vst v1  }
0x72: {  	v0 =	vld [tilespmem:s8+$0x240];
	[tilespmem:s8+$0x6220] =	vst v1  }
0x73: {  	[tilespmem:s8+$0x8220] =	vst v1  }
0x74: {  	[tilespmem:s8+$0x4230] =	vst v5  }
0x75: {  	v6 =	vld [tilespmem:s8+$0x250];
	[tilespmem:s8+$0x6230] =	vst v5  }
0x76: {  	[tilespmem:s8+$0x8230] =	vst v5  }
0x77: {  	[tilespmem:s8+$0x4240] =	vst v0  }
0x78: {  	v7 =	vld [tilespmem:s8+$0x260];
	[tilespmem:s8+$0x6240] =	vst v0  }
0x79: {  	[tilespmem:s8+$0x8240] =	vst v0  }
0x7a: {  	[tilespmem:s8+$0x4250] =	vst v6  }
0x7b: {  	[tilespmem:s8+$0x6250] =	vst v6  }
0x7c: {  	[tilespmem:s8+$0x8250] =	vst v6  }
0x7d: {  	[tilespmem:s8+$0x4260] =	vst v7  }
0x7e: {  	[tilespmem:s8+$0x6260] =	vst v7  }
0x7f: {  	[tilespmem:s8+$0x8260] =	vst v7  }
0x80: {  	[tilespmem:s23], [sflag:$0x5] =	stream.indirect.gather.add.f32 [hbm:s2], $0x80, s14, s21, $0xb8;
	[tilespmem:$0xA200] =	vst v63  }
0x81: {  	_ = 	snop  }
0x82: {  	[tilespmem:s24], [sflag:$0x6] =	stream.indirect.gather.add.f32 [hbm:s2], $0x80, s15, s21, $0xb8;
	[tilespmem:$0xA200] =	vst v63  }
0x83: {  	_ = 	snop  }
0x84: {  	[tilespmem:s25], [sflag:$0x7] =	stream.indirect.gather.add.f32 [hbm:s2], $0x80, s16, s21, $0xb8;
	[tilespmem:$0xA200] =	vst v63  }
0x85: {  	_ =	swait.ge [sflag:s26], $0x2000  }
0x86: {  	[sflag:s26] =	ssyncset.done $0x0  }
0x87: {  	[sflag:s26] =	ssyncadd.s32 $0xFFFFE000  }
0x88: {  	[hbm4b:s7+s3] =	stream.linear.scatter [tilespmem:s18], [sflag:$0x8], $0x2000, $0x38;
	[tilespmem:$0xA200] =	vst v63  }
0x89: {  	_ =	swait.ge [sflag:s28], $0x2000  }
0x8a: {  	[sflag:s28] =	ssyncset.done $0x0  }
0x8b: {  	[sflag:s28] =	ssyncadd.s32 $0xFFFFE000  }
0x8c: {  	[hbm4b:s10+s3] =	stream.linear.scatter [tilespmem:s23], [sflag:$0x9], $0x2000, $0x38;
	[tilespmem:$0xA200] =	vst v63  }
0x8d: {  	_ =	swait.ge [sflag:s29], $0x2000  }
0x8e: {  	[sflag:s29] =	ssyncset.done $0x0  }
0x8f: {  	[sflag:s29] =	ssyncadd.s32 $0xFFFFE000  }
0x90: {  	[hbm4b:s11+s3] =	stream.linear.scatter [tilespmem:s24], [sflag:$0xA], $0x2000, $0x38;
	[tilespmem:$0xA200] =	vst v63  }
0x91: {  	_ =	swait.ge [sflag:s30], $0x2000  }
0x92: {  	[sflag:s30] =	ssyncset.done $0x0  }
0x93: {  	[sflag:s30] =	ssyncadd.s32 $0xFFFFE000  }
0x94: {  	[hbm4b:s12+s3] =	stream.linear.scatter [tilespmem:s25], [sflag:$0xB], $0x2000, $0x38;
	[tilespmem:$0xA200] =	vst v63  }
0x95: {  	_ =	swait.ge [sflag:s31], $0x2000  }
0x96: {  	[sflag:s31] =	ssyncset.done $0x0  }
0x97: {  	[sflag:s31] =	ssyncadd.s32 $0xFFFFE000  }
0x98: {  	_ =	swait.ge [sflag:s1], $0x2000  }
0x99: {  	[sflag:s1] =	ssyncset.done $0x0  }
0x9a: {  	s5 =	sadd.s32 $0x1, s5;
	[sflag:s1] =	ssyncadd.s32 $0xFFFFE000  }
0x9b: {  	p0 =	sne.s32 s5, s13;
	_ =	swait.ge [sflag:s0], $0x2000  }
.Ltmp1:
0x9c: {  	[sflag:s0] =	ssyncset.done $0x0;
	(pc) =	sbr.rel @p0 .LBB2_1-.Ltmp1, $4  }
0x9d: {  	[sflag:s0] =	ssyncadd.s32 $0xFFFFE000  }
0x9e: {  	_ =	swait.ge [sflag:s17], $0x2000  }
0x9f: {  	[sflag:s17] =	ssyncset.done $0x0  }
0xa0: {  	[sflag:s17] =	ssyncadd.s32 $0xFFFFE000  }
0xa1: {  	_ =	sfence.sel $0x180000  }
0xa2: {  	[bflag:$0x0] =	sbarrier.arrive $0xFFFF  }
0xa3: {  	_ =	strace $0x90000047  }
0xa4: {  	s0 =	stileid.u32;
	[bflag:$0x2] =	sbarrier.arrive $0xFFFF  }
0xa5: {  	p0 =	sne.s32 s0, $0x0;
	s0 =	rddreg [dreg:$0x4]  }
0xa6: {  	s0 =	sadd.s32 @!p0 $0x100000, s0  }
0xa7: {  	[sflag:s0] =	ssyncadd.tile.s32 @!p0 $0x1;
	_ =	shalt  }
.Lfunc_end2:
_tile_overlayer_lowered:
.L_overlay_start_2:
0xa8: {  	(tag) =	ssettag $0x2  }
0xa9: {  	s0 =	rddreg [dreg:$0x0];
	s2 =	stileid.u32  }
0xaa: {  	s1 =	rddreg [dreg:$0x1];
	p0 =	sne.s32 s2, $0x0  }
0xab: {  	s3 =	rddreg [dreg:$0x2];
	[bflag:$0x3] =	sbarrier.arrive $0xFFFF;
	s2 =	simm.s32 @!p0 $0x1C0C  }
0xac: {  	[timem:s3], [sflag:s2] =	dma.local @!p0 [hbm:s0], s1  }
0xad: {  	s0 =	simm.s32 @!p0 $0xC  }
0xae: {  	_ =	swait.ge @!p0 [sflag:s0], s1  }
0xaf: {  	s1 =	ssub.s32 @!p0 $0x0, s1;
	[sflag:s0] =	ssyncset.done @!p0 $0x0  }
0xb0: {  	[sflag:s0] =	ssyncadd.s32 @!p0 s1  }
0xb1: {  	[bflag:$0x3] =	sbarrier.arrive $0xFFFF  }
0xb2: {  	_ =	shalt  }

</sc_bundles>
